<compile_context>
chip_gen: v7x
topology: tpu7x:2x2x1
jax: 0.10.2.dev20260603
libtpu: 0.0.44.dev20260713+nightly
codegen_flags: <defaults>
</compile_context>

<pallas_src>
import functools

import jax
import jax.numpy as jnp
from jax import lax
from jax.experimental import pallas as pl
from jax.experimental.pallas import tpu as pltpu
from jax.experimental.pallas import tpu_sc as plsc

BATCH = 16384
LATENT = 64
HIDDEN = 32
LANES = 128

N_ROWS = 1000000
SCAN_BLK = 32768
N_BLOCKS = -(-N_ROWS // SCAN_BLK)
Q_PAD = N_BLOCKS * SCAN_BLK
Q_ROWS = Q_PAD // LANES

NUM_CORES = 2
NUM_SUBCORES = 16
NUM_WORKERS = NUM_CORES * NUM_SUBCORES
IDS_PER_W = BATCH // NUM_WORKERS
IDX_CHUNK = 128
NUM_CHUNKS = IDS_PER_W // IDX_CHUNK
VL = 16


def _scan_body(tT_ref, w_ref, b_ref, q_ref):
    h = jnp.dot(w_ref[...], tT_ref[...], preferred_element_type=jnp.float32)
    h = h + b_ref[...]
    q = jnp.sum(h * h, axis=0)
    q_ref[...] = jnp.reshape(q, (SCAN_BLK // LANES, LANES))


@functools.cache
def _build_scan():
    return pl.pallas_call(
        _scan_body,
        grid=(N_BLOCKS,),
        in_specs=[
            pl.BlockSpec((LATENT, SCAN_BLK), lambda i: (0, i)),
            pl.BlockSpec((HIDDEN, LATENT), lambda i: (0, 0)),
            pl.BlockSpec((HIDDEN, 1), lambda i: (0, 0)),
        ],
        out_specs=pl.BlockSpec((SCAN_BLK // LANES, LANES), lambda i: (i, 0)),
        out_shape=jax.ShapeDtypeStruct((Q_ROWS, LANES), jnp.float32),
    )


@functools.cache
def _build_extract():
    mesh = plsc.VectorSubcoreMesh(core_axis_name="c", subcore_axis_name="s")

    @functools.partial(
        pl.kernel,
        mesh=mesh,
        compiler_params=pltpu.CompilerParams(needs_layout_passes=False),
        out_type=jax.ShapeDtypeStruct((BATCH,), jnp.float32),
        scratch_types=[
            pltpu.VMEM((IDS_PER_W,), jnp.int32),
            pltpu.VMEM((IDS_PER_W,), jnp.int32),
            pltpu.VMEM((IDS_PER_W, LANES), jnp.float32),
            pltpu.VMEM((IDS_PER_W,), jnp.float32),
            pltpu.SemaphoreType.DMA,
        ],
    )
    def extract(q_hbm, idx_hbm, out_hbm, idx_v, hi_v, rows_v, res_v, sem):
        wid = lax.axis_index("s") * NUM_CORES + lax.axis_index("c")
        base = wid * IDS_PER_W
        pltpu.sync_copy(idx_hbm.at[pl.ds(base, IDS_PER_W)], idx_v)
        for k in range(IDS_PER_W // VL):
            hi_v[pl.ds(k * VL, VL)] = lax.shift_right_logical(
                idx_v[pl.ds(k * VL, VL)], 7
            )
        copies = [
            pltpu.make_async_copy(
                q_hbm.at[hi_v.at[pl.ds(j * IDX_CHUNK, IDX_CHUNK)]],
                rows_v.at[pl.ds(j * IDX_CHUNK, IDX_CHUNK)],
                sem,
            )
            for j in range(NUM_CHUNKS)
        ]
        for c in copies:
            c.start()
        for c in copies:
            c.wait()
        for k in range(IDS_PER_W // VL):
            row_ids = lax.iota(jnp.int32, VL) + (k * VL)
            lane_ids = idx_v[pl.ds(k * VL, VL)] & (LANES - 1)
            res_v[pl.ds(k * VL, VL)] = plsc.load_gather(
                rows_v, [row_ids, lane_ids]
            )
        pltpu.sync_copy(res_v, out_hbm.at[pl.ds(base, IDS_PER_W)])

    return extract


def kernel(user_ids, item_ids, user_table, item_table, W_user, b_user, W_item, b_item):
    del item_ids, item_table, W_item, b_item
    ids = user_ids.astype(jnp.int32)
    tableT = user_table.T
    q = _build_scan()(tableT, W_user, b_user.reshape(HIDDEN, 1))
    return _build_extract()(q, ids)

# --- scband reference (transcript-rebuilt; emitter-appended) ---
"""Pipeline reference for scband-vanilla-mf-17626545783535 (READ-ONLY COPY).

The authoritative reference and input builder live on the scoring server;
editing this copy changes nothing except your own understanding.
"""

import jax, jax.numpy as jnp
import numpy as np

N_USERS = 1000000
N_ITEMS = 1000000
LATENT_DIM = 64
BATCH = 16384

def setup_inputs(seed: int = 0) -> dict:
    key = jax.random.key(seed)
    ks = jax.random.split(key, 8)
    user_ids = jax.random.randint(ks[0], (BATCH,), 0, N_USERS, dtype=jnp.int64) if jax.config.jax_enable_x64 else jax.random.randint(ks[0], (BATCH,), 0, N_USERS, dtype=jnp.int32)
    item_ids = jax.random.randint(ks[1], (BATCH,), 0, N_ITEMS, dtype=jnp.int64) if jax.config.jax_enable_x64 else jax.random.randint(ks[1], (BATCH,), 0, N_ITEMS, dtype=jnp.int32)
    user_table = jax.random.normal(ks[2], (N_USERS, LATENT_DIM), dtype=jnp.float32)
    item_table = jax.random.normal(ks[3], (N_ITEMS, LATENT_DIM), dtype=jnp.float32)
    h = LATENT_DIM // 2
    lim = 1.0 / np.sqrt(LATENT_DIM)
    W_user = jax.random.uniform(ks[4], (h, LATENT_DIM), dtype=jnp.float32, minval=-lim, maxval=lim)
    b_user = jax.random.uniform(ks[5], (h,), dtype=jnp.float32, minval=-lim, maxval=lim)
    W_item = jax.random.uniform(ks[6], (h, LATENT_DIM), dtype=jnp.float32, minval=-lim, maxval=lim)
    b_item = jax.random.uniform(ks[7], (h,), dtype=jnp.float32, minval=-lim, maxval=lim)
    return {"user_ids": user_ids, "item_ids": item_ids, "user_table": user_table, "item_table": item_table, "W_user": W_user, "b_user": b_user, "W_item": W_item, "b_item": b_item}

def reference(user_ids, item_ids, user_table, item_table, W_user, b_user, W_item, b_item):
    # Embedding lookups (squeeze(dim=1) is a no-op for [B, d] with d != 1)
    user_emb = jnp.take(user_table, user_ids, axis=0)
    item_emb = jnp.take(item_table, item_ids, axis=0)
    # Faithful to the original forward (including its bugs):
    # item path also uses the *user* linear layer
    user_h1 = user_emb @ W_user.T + b_user
    item_h1 = item_emb @ W_user.T + b_user
    # Dropout is identity in eval mode
    user_h1 = user_h1
    # Original bug: item_h1 = item_h1_dropout(user_h1) -> item_h1 becomes user_h1
    item_h1 = user_h1
    return (user_h1 * item_h1).sum(axis=1)

if __name__ == "__main__":
    import jax
    _d = setup_inputs()
    print(jax.jit(kernel)(*tuple(_d.values())))

</pallas_src>

<mosaic_0001>
#map = affine_map<(d0, d1) -> (0, 0)>
#map1 = affine_map<(d0, d1) -> (0)>
module attributes {stable_mosaic.version = 14 : i64} {
  func.func @extract(%arg0: i32, %arg1: i32, %arg2: memref<7936x128xf32, #tpu.memory_space<hbm>>, %arg3: memref<16384xi32, #tpu.memory_space<hbm>>, %arg4: memref<16384xf32, #tpu.memory_space<hbm>>, %arg5: memref<512xi32, #tpu.memory_space<vmem>>, %arg6: memref<512xi32, #tpu.memory_space<vmem>>, %arg7: memref<512x128xf32, #tpu.memory_space<vmem>>, %arg8: memref<512xf32, #tpu.memory_space<vmem>>, %arg9: memref<!tpu.dma_semaphore, #tpu.memory_space<semaphore_mem>>) attributes {dimension_semantics = [#tpu.dimension_semantics<core_parallel>, #tpu.dimension_semantics<subcore_parallel>], iteration_bounds = array<i64: 2, 16>, scalar_prefetch = 0 : i64, scratch_operands = 5 : i64, tpu.core_type = #tpu.core_type<sc_vector_subcore>, window_params = [{transform_indices = #map}, {transform_indices = #map1}, {transform_indices = #map1}]} {
    %mul3A = arith.constant 2 : i32
    %mul3A_0 = arith.muli %arg1, %mul3A : i32
    %add3A = arith.addi %mul3A_0, %arg0 : i32
    %mul3A_1 = arith.constant 512 : i32
    %mul3A_2 = arith.muli %add3A, %mul3A_1 : i32
    "tpu.region"() ({
      %run_scoped3A = tpu.sem_alloc : memref<!tpu.dma_semaphore, #tpu.memory_space<semaphore_mem>>
      %dma_start3A_667 = tpu.memref_slice %arg3[%mul3A_2] : memref<16384xi32, #tpu.memory_space<hbm>> -> memref<512xi32, #tpu.memory_space<hbm>>
      %dma_start3A_668 = tpu.memref_slice %arg3[%mul3A_2] : memref<16384xi32, #tpu.memory_space<hbm>> -> memref<512xi32, #tpu.memory_space<hbm>>
      tpu.enqueue_dma source(%dma_start3A_668 : memref<512xi32, #tpu.memory_space<hbm>>) target(%arg5 : memref<512xi32, #tpu.memory_space<vmem>>) target_semaphore(%run_scoped3A : memref<!tpu.dma_semaphore, #tpu.memory_space<semaphore_mem>>)
      %dma_wait3A_669 = tpu.memref_slice %arg3[%mul3A_2] : memref<16384xi32, #tpu.memory_space<hbm>> -> memref<512xi32, #tpu.memory_space<hbm>>
      %dma_wait3A_670 = tpu.memref_slice %arg3[%mul3A_2] : memref<16384xi32, #tpu.memory_space<hbm>> -> memref<512xi32, #tpu.memory_space<hbm>>
      tpu.wait_dma2 semaphore(%run_scoped3A : memref<!tpu.dma_semaphore, #tpu.memory_space<semaphore_mem>>) src(%dma_wait3A_670 : memref<512xi32, #tpu.memory_space<hbm>>) dst(%arg5 : memref<512xi32, #tpu.memory_space<vmem>>)
      tpu.yield
    }) : () -> ()
    %get3A = arith.constant 0 : index
    %get3A_3 = tpu.vector_load %arg5[%get3A] {strides = array<i32>} : memref<512xi32, #tpu.memory_space<vmem>>, vector<16xi32>,
    %shift_right_logical3A = arith.constant 7 : i32
    %shift_right_logical3A_4 = vector.broadcast %shift_right_logical3A : i32 to vector<16xi32>
    %shift_right_logical3A_5 = arith.shrui %get3A_3, %shift_right_logical3A_4 : vector<16xi32>
    %swap3A = arith.constant 0 : index
    %swap3A_6 = tpu.vector_load %arg6[%swap3A] {strides = array<i32>} : memref<512xi32, #tpu.memory_space<vmem>>, vector<16xi32>,
    tpu.vector_store %arg6[%swap3A], %shift_right_logical3A_5 {strides = array<i32>} : memref<512xi32, #tpu.memory_space<vmem>>, vector<16xi32>,
    %get3A_7 = arith.constant 16 : index
    %get3A_8 = tpu.vector_load %arg5[%get3A_7] {strides = array<i32>} : memref<512xi32, #tpu.memory_space<vmem>>, vector<16xi32>,
    %shift_right_logical3A_9 = arith.constant 7 : i32
    %shift_right_logical3A_10 = vector.broadcast %shift_right_logical3A_9 : i32 to vector<16xi32>
    %shift_right_logical3A_11 = arith.shrui %get3A_8, %shift_right_logical3A_10 : vector<16xi32>
    %swap3A_12 = arith.constant 16 : index
    %swap3A_13 = tpu.vector_load %arg6[%swap3A_12] {strides = array<i32>} : memref<512xi32, #tpu.memory_space<vmem>>, vector<16xi32>,
    tpu.vector_store %arg6[%swap3A_12], %shift_right_logical3A_11 {strides = array<i32>} : memref<512xi32, #tpu.memory_space<vmem>>, vector<16xi32>,
    %get3A_14 = arith.constant 32 : index
    %get3A_15 = tpu.vector_load %arg5[%get3A_14] {strides = array<i32>} : memref<512xi32, #tpu.memory_space<vmem>>, vector<16xi32>,
    %shift_right_logical3A_16 = arith.constant 7 : i32
    %shift_right_logical3A_17 = vector.broadcast %shift_right_logical3A_16 : i32 to vector<16xi32>
    %shift_right_logical3A_18 = arith.shrui %get3A_15, %shift_right_logical3A_17 : vector<16xi32>
    %swap3A_19 = arith.constant 32 : index
    %swap3A_20 = tpu.vector_load %arg6[%swap3A_19] {strides = array<i32>} : memref<512xi32, #tpu.memory_space<vmem>>, vector<16xi32>,
    tpu.vector_store %arg6[%swap3A_19], %shift_right_logical3A_18 {strides = array<i32>} : memref<512xi32, #tpu.memory_space<vmem>>, vector<16xi32>,
    %get3A_21 = arith.constant 48 : index
    %get3A_22 = tpu.vector_load %arg5[%get3A_21] {strides = array<i32>} : memref<512xi32, #tpu.memory_space<vmem>>, vector<16xi32>,
    %shift_right_logical3A_23 = arith.constant 7 : i32
    %shift_right_logical3A_24 = vector.broadcast %shift_right_logical3A_23 : i32 to vector<16xi32>
    %shift_right_logical3A_25 = arith.shrui %get3A_22, %shift_right_logical3A_24 : vector<16xi32>
    %swap3A_26 = arith.constant 48 : index
    %swap3A_27 = tpu.vector_load %arg6[%swap3A_26] {strides = array<i32>} : memref<512xi32, #tpu.memory_space<vmem>>, vector<16xi32>,
    tpu.vector_store %arg6[%swap3A_26], %shift_right_logical3A_25 {strides = array<i32>} : memref<512xi32, #tpu.memory_space<vmem>>, vector<16xi32>,
    %get3A_28 = arith.constant 64 : index
    %get3A_29 = tpu.vector_load %arg5[%get3A_28] {strides = array<i32>} : memref<512xi32, #tpu.memory_space<vmem>>, vector<16xi32>,
    %shift_right_logical3A_30 = arith.constant 7 : i32
    %shift_right_logical3A_31 = vector.broadcast %shift_right_logical3A_30 : i32 to vector<16xi32>
    %shift_right_logical3A_32 = arith.shrui %get3A_29, %shift_right_logical3A_31 : vector<16xi32>
    %swap3A_33 = arith.constant 64 : index
    %swap3A_34 = tpu.vector_load %arg6[%swap3A_33] {strides = array<i32>} : memref<512xi32, #tpu.memory_space<vmem>>, vector<16xi32>,
    tpu.vector_store %arg6[%swap3A_33], %shift_right_logical3A_32 {strides = array<i32>} : memref<512xi32, #tpu.memory_space<vmem>>, vector<16xi32>,
    %get3A_35 = arith.constant 80 : index
    %get3A_36 = tpu.vector_load %arg5[%get3A_35] {strides = array<i32>} : memref<512xi32, #tpu.memory_space<vmem>>, vector<16xi32>,
    %shift_right_logical3A_37 = arith.constant 7 : i32
    %shift_right_logical3A_38 = vector.broadcast %shift_right_logical3A_37 : i32 to vector<16xi32>
    %shift_right_logical3A_39 = arith.shrui %get3A_36, %shift_right_logical3A_38 : vector<16xi32>
    %swap3A_40 = arith.constant 80 : index
    %swap3A_41 = tpu.vector_load %arg6[%swap3A_40] {strides = array<i32>} : memref<512xi32, #tpu.memory_space<vmem>>, vector<16xi32>,
    tpu.vector_store %arg6[%swap3A_40], %shift_right_logical3A_39 {strides = array<i32>} : memref<512xi32, #tpu.memory_space<vmem>>, vector<16xi32>,
    %get3A_42 = arith.constant 96 : index
    %get3A_43 = tpu.vector_load %arg5[%get3A_42] {strides = array<i32>} : memref<512xi32, #tpu.memory_space<vmem>>, vector<16xi32>,
    %shift_right_logical3A_44 = arith.constant 7 : i32
    %shift_right_logical3A_45 = vector.broadcast %shift_right_logical3A_44 : i32 to vector<16xi32>
    %shift_right_logical3A_46 = arith.shrui %get3A_43, %shift_right_logical3A_45 : vector<16xi32>
    %swap3A_47 = arith.constant 96 : index
    %swap3A_48 = tpu.vector_load %arg6[%swap3A_47] {strides = array<i32>} : memref<512xi32, #tpu.memory_space<vmem>>, vector<16xi32>,
    tpu.vector_store %arg6[%swap3A_47], %shift_right_logical3A_46 {strides = array<i32>} : memref<512xi32, #tpu.memory_space<vmem>>, vector<16xi32>,
    %get3A_49 = arith.constant 112 : index
    %get3A_50 = tpu.vector_load %arg5[%get3A_49] {strides = array<i32>} : memref<512xi32, #tpu.memory_space<vmem>>, vector<16xi32>,
    %shift_right_logical3A_51 = arith.constant 7 : i32
    %shift_right_logical3A_52 = vector.broadcast %shift_right_logical3A_51 : i32 to vector<16xi32>
    %shift_right_logical3A_53 = arith.shrui %get3A_50, %shift_right_logical3A_52 : vector<16xi32>
    %swap3A_54 = arith.constant 112 : index
    %swap3A_55 = tpu.vector_load %arg6[%swap3A_54] {strides = array<i32>} : memref<512xi32, #tpu.memory_space<vmem>>, vector<16xi32>,
    tpu.vector_store %arg6[%swap3A_54], %shift_right_logical3A_53 {strides = array<i32>} : memref<512xi32, #tpu.memory_space<vmem>>, vector<16xi32>,
    %get3A_56 = arith.constant 128 : index
    %get3A_57 = tpu.vector_load %arg5[%get3A_56] {strides = array<i32>} : memref<512xi32, #tpu.memory_space<vmem>>, vector<16xi32>,
    %shift_right_logical3A_58 = arith.constant 7 : i32
    %shift_right_logical3A_59 = vector.broadcast %shift_right_logical3A_58 : i32 to vector<16xi32>
    %shift_right_logical3A_60 = arith.shrui %get3A_57, %shift_right_logical3A_59 : vector<16xi32>
    %swap3A_61 = arith.constant 128 : index
    %swap3A_62 = tpu.vector_load %arg6[%swap3A_61] {strides = array<i32>} : memref<512xi32, #tpu.memory_space<vmem>>, vector<16xi32>,
    tpu.vector_store %arg6[%swap3A_61], %shift_right_logical3A_60 {strides = array<i32>} : memref<512xi32, #tpu.memory_space<vmem>>, vector<16xi32>,
    %get3A_63 = arith.constant 144 : index
    %get3A_64 = tpu.vector_load %arg5[%get3A_63] {strides = array<i32>} : memref<512xi32, #tpu.memory_space<vmem>>, vector<16xi32>,
    %shift_right_logical3A_65 = arith.constant 7 : i32
    %shift_right_logical3A_66 = vector.broadcast %shift_right_logical3A_65 : i32 to vector<16xi32>
    %shift_right_logical3A_67 = arith.shrui %get3A_64, %shift_right_logical3A_66 : vector<16xi32>
    %swap3A_68 = arith.constant 144 : index
    %swap3A_69 = tpu.vector_load %arg6[%swap3A_68] {strides = array<i32>} : memref<512xi32, #tpu.memory_space<vmem>>, vector<16xi32>,
    tpu.vector_store %arg6[%swap3A_68], %shift_right_logical3A_67 {strides = array<i32>} : memref<512xi32, #tpu.memory_space<vmem>>, vector<16xi32>,
    %get3A_70 = arith.constant 160 : index
    %get3A_71 = tpu.vector_load %arg5[%get3A_70] {strides = array<i32>} : memref<512xi32, #tpu.memory_space<vmem>>, vector<16xi32>,
    %shift_right_logical3A_72 = arith.constant 7 : i32
    %shift_right_logical3A_73 = vector.broadcast %shift_right_logical3A_72 : i32 to vector<16xi32>
    %shift_right_logical3A_74 = arith.shrui %get3A_71, %shift_right_logical3A_73 : vector<16xi32>
    %swap3A_75 = arith.constant 160 : index
    %swap3A_76 = tpu.vector_load %arg6[%swap3A_75] {strides = array<i32>} : memref<512xi32, #tpu.memory_space<vmem>>, vector<16xi32>,
    tpu.vector_store %arg6[%swap3A_75], %shift_right_logical3A_74 {strides = array<i32>} : memref<512xi32, #tpu.memory_space<vmem>>, vector<16xi32>,
    %get3A_77 = arith.constant 176 : index
    %get3A_78 = tpu.vector_load %arg5[%get3A_77] {strides = array<i32>} : memref<512xi32, #tpu.memory_space<vmem>>, vector<16xi32>,
    %shift_right_logical3A_79 = arith.constant 7 : i32
    %shift_right_logical3A_80 = vector.broadcast %shift_right_logical3A_79 : i32 to vector<16xi32>
    %shift_right_logical3A_81 = arith.shrui %get3A_78, %shift_right_logical3A_80 : vector<16xi32>
    %swap3A_82 = arith.constant 176 : index
    %swap3A_83 = tpu.vector_load %arg6[%swap3A_82] {strides = array<i32>} : memref<512xi32, #tpu.memory_space<vmem>>, vector<16xi32>,
    tpu.vector_store %arg6[%swap3A_82], %shift_right_logical3A_81 {strides = array<i32>} : memref<512xi32, #tpu.memory_space<vmem>>, vector<16xi32>,
    %get3A_84 = arith.constant 192 : index
    %get3A_85 = tpu.vector_load %arg5[%get3A_84] {strides = array<i32>} : memref<512xi32, #tpu.memory_space<vmem>>, vector<16xi32>,
    %shift_right_logical3A_86 = arith.constant 7 : i32
    %shift_right_logical3A_87 = vector.broadcast %shift_right_logical3A_86 : i32 to vector<16xi32>
    %shift_right_logical3A_88 = arith.shrui %get3A_85, %shift_right_logical3A_87 : vector<16xi32>
    %swap3A_89 = arith.constant 192 : index
    %swap3A_90 = tpu.vector_load %arg6[%swap3A_89] {strides = array<i32>} : memref<512xi32, #tpu.memory_space<vmem>>, vector<16xi32>,
    tpu.vector_store %arg6[%swap3A_89], %shift_right_logical3A_88 {strides = array<i32>} : memref<512xi32, #tpu.memory_space<vmem>>, vector<16xi32>,
    %get3A_91 = arith.constant 208 : index
    %get3A_92 = tpu.vector_load %arg5[%get3A_91] {strides = array<i32>} : memref<512xi32, #tpu.memory_space<vmem>>, vector<16xi32>,
    %shift_right_logical3A_93 = arith.constant 7 : i32
    %shift_right_logical3A_94 = vector.broadcast %shift_right_logical3A_93 : i32 to vector<16xi32>
    %shift_right_logical3A_95 = arith.shrui %get3A_92, %shift_right_logical3A_94 : vector<16xi32>
    %swap3A_96 = arith.constant 208 : index
    %swap3A_97 = tpu.vector_load %arg6[%swap3A_96] {strides = array<i32>} : memref<512xi32, #tpu.memory_space<vmem>>, vector<16xi32>,
    tpu.vector_store %arg6[%swap3A_96], %shift_right_logical3A_95 {strides = array<i32>} : memref<512xi32, #tpu.memory_space<vmem>>, vector<16xi32>,
    %get3A_98 = arith.constant 224 : index
    %get3A_99 = tpu.vector_load %arg5[%get3A_98] {strides = array<i32>} : memref<512xi32, #tpu.memory_space<vmem>>, vector<16xi32>,
    %shift_right_logical3A_100 = arith.constant 7 : i32
    %shift_right_logical3A_101 = vector.broadcast %shift_right_logical3A_100 : i32 to vector<16xi32>
    %shift_right_logical3A_102 = arith.shrui %get3A_99, %shift_right_logical3A_101 : vector<16xi32>
    %swap3A_103 = arith.constant 224 : index
    %swap3A_104 = tpu.vector_load %arg6[%swap3A_103] {strides = array<i32>} : memref<512xi32, #tpu.memory_space<vmem>>, vector<16xi32>,
    tpu.vector_store %arg6[%swap3A_103], %shift_right_logical3A_102 {strides = array<i32>} : memref<512xi32, #tpu.memory_space<vmem>>, vector<16xi32>,
    %get3A_105 = arith.constant 240 : index
    %get3A_106 = tpu.vector_load %arg5[%get3A_105] {strides = array<i32>} : memref<512xi32, #tpu.memory_space<vmem>>, vector<16xi32>,
    %shift_right_logical3A_107 = arith.constant 7 : i32
    %shift_right_logical3A_108 = vector.broadcast %shift_right_logical3A_107 : i32 to vector<16xi32>
    %shift_right_logical3A_109 = arith.shrui %get3A_106, %shift_right_logical3A_108 : vector<16xi32>
    %swap3A_110 = arith.constant 240 : index
    %swap3A_111 = tpu.vector_load %arg6[%swap3A_110] {strides = array<i32>} : memref<512xi32, #tpu.memory_space<vmem>>, vector<16xi32>,
    tpu.vector_store %arg6[%swap3A_110], %shift_right_logical3A_109 {strides = array<i32>} : memref<512xi32, #tpu.memory_space<vmem>>, vector<16xi32>,
    %get3A_112 = arith.constant 256 : index
    %get3A_113 = tpu.vector_load %arg5[%get3A_112] {strides = array<i32>} : memref<512xi32, #tpu.memory_space<vmem>>, vector<16xi32>,
    %shift_right_logical3A_114 = arith.constant 7 : i32
    %shift_right_logical3A_115 = vector.broadcast %shift_right_logical3A_114 : i32 to vector<16xi32>
    %shift_right_logical3A_116 = arith.shrui %get3A_113, %shift_right_logical3A_115 : vector<16xi32>
    %swap3A_117 = arith.constant 256 : index
    %swap3A_118 = tpu.vector_load %arg6[%swap3A_117] {strides = array<i32>} : memref<512xi32, #tpu.memory_space<vmem>>, vector<16xi32>,
    tpu.vector_store %arg6[%swap3A_117], %shift_right_logical3A_116 {strides = array<i32>} : memref<512xi32, #tpu.memory_space<vmem>>, vector<16xi32>,
    %get3A_119 = arith.constant 272 : index
    %get3A_120 = tpu.vector_load %arg5[%get3A_119] {strides = array<i32>} : memref<512xi32, #tpu.memory_space<vmem>>, vector<16xi32>,
    %shift_right_logical3A_121 = arith.constant 7 : i32
    %shift_right_logical3A_122 = vector.broadcast %shift_right_logical3A_121 : i32 to vector<16xi32>
    %shift_right_logical3A_123 = arith.shrui %get3A_120, %shift_right_logical3A_122 : vector<16xi32>
    %swap3A_124 = arith.constant 272 : index
    %swap3A_125 = tpu.vector_load %arg6[%swap3A_124] {strides = array<i32>} : memref<512xi32, #tpu.memory_space<vmem>>, vector<16xi32>,
    tpu.vector_store %arg6[%swap3A_124], %shift_right_logical3A_123 {strides = array<i32>} : memref<512xi32, #tpu.memory_space<vmem>>, vector<16xi32>,
    %get3A_126 = arith.constant 288 : index
    %get3A_127 = tpu.vector_load %arg5[%get3A_126] {strides = array<i32>} : memref<512xi32, #tpu.memory_space<vmem>>, vector<16xi32>,
    %shift_right_logical3A_128 = arith.constant 7 : i32
    %shift_right_logical3A_129 = vector.broadcast %shift_right_logical3A_128 : i32 to vector<16xi32>
    %shift_right_logical3A_130 = arith.shrui %get3A_127, %shift_right_logical3A_129 : vector<16xi32>
    %swap3A_131 = arith.constant 288 : index
    %swap3A_132 = tpu.vector_load %arg6[%swap3A_131] {strides = array<i32>} : memref<512xi32, #tpu.memory_space<vmem>>, vector<16xi32>,
    tpu.vector_store %arg6[%swap3A_131], %shift_right_logical3A_130 {strides = array<i32>} : memref<512xi32, #tpu.memory_space<vmem>>, vector<16xi32>,
    %get3A_133 = arith.constant 304 : index
    %get3A_134 = tpu.vector_load %arg5[%get3A_133] {strides = array<i32>} : memref<512xi32, #tpu.memory_space<vmem>>, vector<16xi32>,
    %shift_right_logical3A_135 = arith.constant 7 : i32
    %shift_right_logical3A_136 = vector.broadcast %shift_right_logical3A_135 : i32 to vector<16xi32>
    %shift_right_logical3A_137 = arith.shrui %get3A_134, %shift_right_logical3A_136 : vector<16xi32>
    %swap3A_138 = arith.constant 304 : index
    %swap3A_139 = tpu.vector_load %arg6[%swap3A_138] {strides = array<i32>} : memref<512xi32, #tpu.memory_space<vmem>>, vector<16xi32>,
    tpu.vector_store %arg6[%swap3A_138], %shift_right_logical3A_137 {strides = array<i32>} : memref<512xi32, #tpu.memory_space<vmem>>, vector<16xi32>,
    %get3A_140 = arith.constant 320 : index
    %get3A_141 = tpu.vector_load %arg5[%get3A_140] {strides = array<i32>} : memref<512xi32, #tpu.memory_space<vmem>>, vector<16xi32>,
    %shift_right_logical3A_142 = arith.constant 7 : i32
    %shift_right_logical3A_143 = vector.broadcast %shift_right_logical3A_142 : i32 to vector<16xi32>
    %shift_right_logical3A_144 = arith.shrui %get3A_141, %shift_right_logical3A_143 : vector<16xi32>
    %swap3A_145 = arith.constant 320 : index
    %swap3A_146 = tpu.vector_load %arg6[%swap3A_145] {strides = array<i32>} : memref<512xi32, #tpu.memory_space<vmem>>, vector<16xi32>,
    tpu.vector_store %arg6[%swap3A_145], %shift_right_logical3A_144 {strides = array<i32>} : memref<512xi32, #tpu.memory_space<vmem>>, vector<16xi32>,
    %get3A_147 = arith.constant 336 : index
    %get3A_148 = tpu.vector_load %arg5[%get3A_147] {strides = array<i32>} : memref<512xi32, #tpu.memory_space<vmem>>, vector<16xi32>,
    %shift_right_logical3A_149 = arith.constant 7 : i32
    %shift_right_logical3A_150 = vector.broadcast %shift_right_logical3A_149 : i32 to vector<16xi32>
    %shift_right_logical3A_151 = arith.shrui %get3A_148, %shift_right_logical3A_150 : vector<16xi32>
    %swap3A_152 = arith.constant 336 : index
    %swap3A_153 = tpu.vector_load %arg6[%swap3A_152] {strides = array<i32>} : memref<512xi32, #tpu.memory_space<vmem>>, vector<16xi32>,
    tpu.vector_store %arg6[%swap3A_152], %shift_right_logical3A_151 {strides = array<i32>} : memref<512xi32, #tpu.memory_space<vmem>>, vector<16xi32>,
    %get3A_154 = arith.constant 352 : index
    %get3A_155 = tpu.vector_load %arg5[%get3A_154] {strides = array<i32>} : memref<512xi32, #tpu.memory_space<vmem>>, vector<16xi32>,
    %shift_right_logical3A_156 = arith.constant 7 : i32
    %shift_right_logical3A_157 = vector.broadcast %shift_right_logical3A_156 : i32 to vector<16xi32>
    %shift_right_logical3A_158 = arith.shrui %get3A_155, %shift_right_logical3A_157 : vector<16xi32>
    %swap3A_159 = arith.constant 352 : index
    %swap3A_160 = tpu.vector_load %arg6[%swap3A_159] {strides = array<i32>} : memref<512xi32, #tpu.memory_space<vmem>>, vector<16xi32>,
    tpu.vector_store %arg6[%swap3A_159], %shift_right_logical3A_158 {strides = array<i32>} : memref<512xi32, #tpu.memory_space<vmem>>, vector<16xi32>,
    %get3A_161 = arith.constant 368 : index
    %get3A_162 = tpu.vector_load %arg5[%get3A_161] {strides = array<i32>} : memref<512xi32, #tpu.memory_space<vmem>>, vector<16xi32>,
    %shift_right_logical3A_163 = arith.constant 7 : i32
    %shift_right_logical3A_164 = vector.broadcast %shift_right_logical3A_163 : i32 to vector<16xi32>
    %shift_right_logical3A_165 = arith.shrui %get3A_162, %shift_right_logical3A_164 : vector<16xi32>
    %swap3A_166 = arith.constant 368 : index
    %swap3A_167 = tpu.vector_load %arg6[%swap3A_166] {strides = array<i32>} : memref<512xi32, #tpu.memory_space<vmem>>, vector<16xi32>,
    tpu.vector_store %arg6[%swap3A_166], %shift_right_logical3A_165 {strides = array<i32>} : memref<512xi32, #tpu.memory_space<vmem>>, vector<16xi32>,
    %get3A_168 = arith.constant 384 : index
    %get3A_169 = tpu.vector_load %arg5[%get3A_168] {strides = array<i32>} : memref<512xi32, #tpu.memory_space<vmem>>, vector<16xi32>,
    %shift_right_logical3A_170 = arith.constant 7 : i32
    %shift_right_logical3A_171 = vector.broadcast %shift_right_logical3A_170 : i32 to vector<16xi32>
    %shift_right_logical3A_172 = arith.shrui %get3A_169, %shift_right_logical3A_171 : vector<16xi32>
    %swap3A_173 = arith.constant 384 : index
    %swap3A_174 = tpu.vector_load %arg6[%swap3A_173] {strides = array<i32>} : memref<512xi32, #tpu.memory_space<vmem>>, vector<16xi32>,
    tpu.vector_store %arg6[%swap3A_173], %shift_right_logical3A_172 {strides = array<i32>} : memref<512xi32, #tpu.memory_space<vmem>>, vector<16xi32>,
    %get3A_175 = arith.constant 400 : index
    %get3A_176 = tpu.vector_load %arg5[%get3A_175] {strides = array<i32>} : memref<512xi32, #tpu.memory_space<vmem>>, vector<16xi32>,
    %shift_right_logical3A_177 = arith.constant 7 : i32
    %shift_right_logical3A_178 = vector.broadcast %shift_right_logical3A_177 : i32 to vector<16xi32>
    %shift_right_logical3A_179 = arith.shrui %get3A_176, %shift_right_logical3A_178 : vector<16xi32>
    %swap3A_180 = arith.constant 400 : index
    %swap3A_181 = tpu.vector_load %arg6[%swap3A_180] {strides = array<i32>} : memref<512xi32, #tpu.memory_space<vmem>>, vector<16xi32>,
    tpu.vector_store %arg6[%swap3A_180], %shift_right_logical3A_179 {strides = array<i32>} : memref<512xi32, #tpu.memory_space<vmem>>, vector<16xi32>,
    %get3A_182 = arith.constant 416 : index
    %get3A_183 = tpu.vector_load %arg5[%get3A_182] {strides = array<i32>} : memref<512xi32, #tpu.memory_space<vmem>>, vector<16xi32>,
    %shift_right_logical3A_184 = arith.constant 7 : i32
    %shift_right_logical3A_185 = vector.broadcast %shift_right_logical3A_184 : i32 to vector<16xi32>
    %shift_right_logical3A_186 = arith.shrui %get3A_183, %shift_right_logical3A_185 : vector<16xi32>
    %swap3A_187 = arith.constant 416 : index
    %swap3A_188 = tpu.vector_load %arg6[%swap3A_187] {strides = array<i32>} : memref<512xi32, #tpu.memory_space<vmem>>, vector<16xi32>,
    tpu.vector_store %arg6[%swap3A_187], %shift_right_logical3A_186 {strides = array<i32>} : memref<512xi32, #tpu.memory_space<vmem>>, vector<16xi32>,
    %get3A_189 = arith.constant 432 : index
    %get3A_190 = tpu.vector_load %arg5[%get3A_189] {strides = array<i32>} : memref<512xi32, #tpu.memory_space<vmem>>, vector<16xi32>,
    %shift_right_logical3A_191 = arith.constant 7 : i32
    %shift_right_logical3A_192 = vector.broadcast %shift_right_logical3A_191 : i32 to vector<16xi32>
    %shift_right_logical3A_193 = arith.shrui %get3A_190, %shift_right_logical3A_192 : vector<16xi32>
    %swap3A_194 = arith.constant 432 : index
    %swap3A_195 = tpu.vector_load %arg6[%swap3A_194] {strides = array<i32>} : memref<512xi32, #tpu.memory_space<vmem>>, vector<16xi32>,
    tpu.vector_store %arg6[%swap3A_194], %shift_right_logical3A_193 {strides = array<i32>} : memref<512xi32, #tpu.memory_space<vmem>>, vector<16xi32>,
    %get3A_196 = arith.constant 448 : index
    %get3A_197 = tpu.vector_load %arg5[%get3A_196] {strides = array<i32>} : memref<512xi32, #tpu.memory_space<vmem>>, vector<16xi32>,
    %shift_right_logical3A_198 = arith.constant 7 : i32
    %shift_right_logical3A_199 = vector.broadcast %shift_right_logical3A_198 : i32 to vector<16xi32>
    %shift_right_logical3A_200 = arith.shrui %get3A_197, %shift_right_logical3A_199 : vector<16xi32>
    %swap3A_201 = arith.constant 448 : index
    %swap3A_202 = tpu.vector_load %arg6[%swap3A_201] {strides = array<i32>} : memref<512xi32, #tpu.memory_space<vmem>>, vector<16xi32>,
    tpu.vector_store %arg6[%swap3A_201], %shift_right_logical3A_200 {strides = array<i32>} : memref<512xi32, #tpu.memory_space<vmem>>, vector<16xi32>,
    %get3A_203 = arith.constant 464 : index
    %get3A_204 = tpu.vector_load %arg5[%get3A_203] {strides = array<i32>} : memref<512xi32, #tpu.memory_space<vmem>>, vector<16xi32>,
    %shift_right_logical3A_205 = arith.constant 7 : i32
    %shift_right_logical3A_206 = vector.broadcast %shift_right_logical3A_205 : i32 to vector<16xi32>
    %shift_right_logical3A_207 = arith.shrui %get3A_204, %shift_right_logical3A_206 : vector<16xi32>
    %swap3A_208 = arith.constant 464 : index
    %swap3A_209 = tpu.vector_load %arg6[%swap3A_208] {strides = array<i32>} : memref<512xi32, #tpu.memory_space<vmem>>, vector<16xi32>,
    tpu.vector_store %arg6[%swap3A_208], %shift_right_logical3A_207 {strides = array<i32>} : memref<512xi32, #tpu.memory_space<vmem>>, vector<16xi32>,
    %get3A_210 = arith.constant 480 : index
    %get3A_211 = tpu.vector_load %arg5[%get3A_210] {strides = array<i32>} : memref<512xi32, #tpu.memory_space<vmem>>, vector<16xi32>,
    %shift_right_logical3A_212 = arith.constant 7 : i32
    %shift_right_logical3A_213 = vector.broadcast %shift_right_logical3A_212 : i32 to vector<16xi32>
    %shift_right_logical3A_214 = arith.shrui %get3A_211, %shift_right_logical3A_213 : vector<16xi32>
    %swap3A_215 = arith.constant 480 : index
    %swap3A_216 = tpu.vector_load %arg6[%swap3A_215] {strides = array<i32>} : memref<512xi32, #tpu.memory_space<vmem>>, vector<16xi32>,
    tpu.vector_store %arg6[%swap3A_215], %shift_right_logical3A_214 {strides = array<i32>} : memref<512xi32, #tpu.memory_space<vmem>>, vector<16xi32>,
    %get3A_217 = arith.constant 496 : index
    %get3A_218 = tpu.vector_load %arg5[%get3A_217] {strides = array<i32>} : memref<512xi32, #tpu.memory_space<vmem>>, vector<16xi32>,
    %shift_right_logical3A_219 = arith.constant 7 : i32
    %shift_right_logical3A_220 = vector.broadcast %shift_right_logical3A_219 : i32 to vector<16xi32>
    %shift_right_logical3A_221 = arith.shrui %get3A_218, %shift_right_logical3A_220 : vector<16xi32>
    %swap3A_222 = arith.constant 496 : index
    %swap3A_223 = tpu.vector_load %arg6[%swap3A_222] {strides = array<i32>} : memref<512xi32, #tpu.memory_space<vmem>>, vector<16xi32>,
    tpu.vector_store %arg6[%swap3A_222], %shift_right_logical3A_221 {strides = array<i32>} : memref<512xi32, #tpu.memory_space<vmem>>, vector<16xi32>,
    %dma_start3A = arith.constant 0 : i32
    %dma_start3A_224 = arith.constant 0 : i32
    %dma_start3A_225 = tpu.memref_slice %arg7[%dma_start3A, %dma_start3A_224] : memref<512x128xf32, #tpu.memory_space<vmem>> -> memref<128x128xf32, #tpu.memory_space<vmem>>
    %dma_start3A_226 = arith.constant 0 : i32
    %dma_start3A_227 = tpu.memref_slice %arg6[%dma_start3A_226] : memref<512xi32, #tpu.memory_space<vmem>> -> memref<128xi32, #tpu.memory_space<vmem>>
    %dma_start3A_228 = arith.constant 0 : i32
    %dma_start3A_229 = arith.constant 0 : i32
    %dma_start3A_230 = tpu.memref_slice %arg2[%dma_start3A_228, %dma_start3A_229] : memref<7936x128xf32, #tpu.memory_space<hbm>> -> memref<7936x128xf32, #tpu.memory_space<hbm>>
    tpu.enqueue_indirect_dma source(%dma_start3A_230 : memref<7936x128xf32, #tpu.memory_space<hbm>>) target(%dma_start3A_225 : memref<128x128xf32, #tpu.memory_space<vmem>>) offsets(%dma_start3A_227 : memref<128xi32, #tpu.memory_space<vmem>>) semaphore(%arg9 : memref<!tpu.dma_semaphore, #tpu.memory_space<semaphore_mem>>)
    %dma_start3A_231 = arith.constant 128 : i32
    %dma_start3A_232 = arith.constant 0 : i32
    %dma_start3A_233 = tpu.memref_slice %arg7[%dma_start3A_231, %dma_start3A_232] : memref<512x128xf32, #tpu.memory_space<vmem>> -> memref<128x128xf32, #tpu.memory_space<vmem>>
    %dma_start3A_234 = arith.constant 128 : i32
    %dma_start3A_235 = tpu.memref_slice %arg6[%dma_start3A_234] : memref<512xi32, #tpu.memory_space<vmem>> -> memref<128xi32, #tpu.memory_space<vmem>>
    %dma_start3A_236 = arith.constant 0 : i32
    %dma_start3A_237 = arith.constant 0 : i32
    %dma_start3A_238 = tpu.memref_slice %arg2[%dma_start3A_236, %dma_start3A_237] : memref<7936x128xf32, #tpu.memory_space<hbm>> -> memref<7936x128xf32, #tpu.memory_space<hbm>>
    tpu.enqueue_indirect_dma source(%dma_start3A_238 : memref<7936x128xf32, #tpu.memory_space<hbm>>) target(%dma_start3A_233 : memref<128x128xf32, #tpu.memory_space<vmem>>) offsets(%dma_start3A_235 : memref<128xi32, #tpu.memory_space<vmem>>) semaphore(%arg9 : memref<!tpu.dma_semaphore, #tpu.memory_space<semaphore_mem>>)
    %dma_start3A_239 = arith.constant 256 : i32
    %dma_start3A_240 = arith.constant 0 : i32
    %dma_start3A_241 = tpu.memref_slice %arg7[%dma_start3A_239, %dma_start3A_240] : memref<512x128xf32, #tpu.memory_space<vmem>> -> memref<128x128xf32, #tpu.memory_space<vmem>>
    %dma_start3A_242 = arith.constant 256 : i32
    %dma_start3A_243 = tpu.memref_slice %arg6[%dma_start3A_242] : memref<512xi32, #tpu.memory_space<vmem>> -> memref<128xi32, #tpu.memory_space<vmem>>
    %dma_start3A_244 = arith.constant 0 : i32
    %dma_start3A_245 = arith.constant 0 : i32
    %dma_start3A_246 = tpu.memref_slice %arg2[%dma_start3A_244, %dma_start3A_245] : memref<7936x128xf32, #tpu.memory_space<hbm>> -> memref<7936x128xf32, #tpu.memory_space<hbm>>
    tpu.enqueue_indirect_dma source(%dma_start3A_246 : memref<7936x128xf32, #tpu.memory_space<hbm>>) target(%dma_start3A_241 : memref<128x128xf32, #tpu.memory_space<vmem>>) offsets(%dma_start3A_243 : memref<128xi32, #tpu.memory_space<vmem>>) semaphore(%arg9 : memref<!tpu.dma_semaphore, #tpu.memory_space<semaphore_mem>>)
    %dma_start3A_247 = arith.constant 384 : i32
    %dma_start3A_248 = arith.constant 0 : i32
    %dma_start3A_249 = tpu.memref_slice %arg7[%dma_start3A_247, %dma_start3A_248] : memref<512x128xf32, #tpu.memory_space<vmem>> -> memref<128x128xf32, #tpu.memory_space<vmem>>
    %dma_start3A_250 = arith.constant 384 : i32
    %dma_start3A_251 = tpu.memref_slice %arg6[%dma_start3A_250] : memref<512xi32, #tpu.memory_space<vmem>> -> memref<128xi32, #tpu.memory_space<vmem>>
    %dma_start3A_252 = arith.constant 0 : i32
    %dma_start3A_253 = arith.constant 0 : i32
    %dma_start3A_254 = tpu.memref_slice %arg2[%dma_start3A_252, %dma_start3A_253] : memref<7936x128xf32, #tpu.memory_space<hbm>> -> memref<7936x128xf32, #tpu.memory_space<hbm>>
    tpu.enqueue_indirect_dma source(%dma_start3A_254 : memref<7936x128xf32, #tpu.memory_space<hbm>>) target(%dma_start3A_249 : memref<128x128xf32, #tpu.memory_space<vmem>>) offsets(%dma_start3A_251 : memref<128xi32, #tpu.memory_space<vmem>>) semaphore(%arg9 : memref<!tpu.dma_semaphore, #tpu.memory_space<semaphore_mem>>)
    %dma_wait3A = arith.constant 0 : i32
    %dma_wait3A_255 = arith.constant 0 : i32
    %dma_wait3A_256 = tpu.memref_slice %arg7[%dma_wait3A, %dma_wait3A_255] : memref<512x128xf32, #tpu.memory_space<vmem>> -> memref<128x128xf32, #tpu.memory_space<vmem>>
    %dma_wait3A_257 = arith.constant 0 : i32
    %dma_wait3A_258 = tpu.memref_slice %arg6[%dma_wait3A_257] : memref<512xi32, #tpu.memory_space<vmem>> -> memref<128xi32, #tpu.memory_space<vmem>>
    %dma_wait3A_259 = arith.constant 0 : i32
    %dma_wait3A_260 = arith.constant 0 : i32
    %dma_wait3A_261 = tpu.memref_slice %arg2[%dma_wait3A_259, %dma_wait3A_260] : memref<7936x128xf32, #tpu.memory_space<hbm>> -> memref<7936x128xf32, #tpu.memory_space<hbm>>
    tpu.wait_indirect_dma semaphore(%arg9 : memref<!tpu.dma_semaphore, #tpu.memory_space<semaphore_mem>>) src(%dma_wait3A_261 : memref<7936x128xf32, #tpu.memory_space<hbm>>) dst(%dma_wait3A_256 : memref<128x128xf32, #tpu.memory_space<vmem>>)
    %dma_wait3A_262 = arith.constant 128 : i32
    %dma_wait3A_263 = arith.constant 0 : i32
    %dma_wait3A_264 = tpu.memref_slice %arg7[%dma_wait3A_262, %dma_wait3A_263] : memref<512x128xf32, #tpu.memory_space<vmem>> -> memref<128x128xf32, #tpu.memory_space<vmem>>
    %dma_wait3A_265 = arith.constant 128 : i32
    %dma_wait3A_266 = tpu.memref_slice %arg6[%dma_wait3A_265] : memref<512xi32, #tpu.memory_space<vmem>> -> memref<128xi32, #tpu.memory_space<vmem>>
    %dma_wait3A_267 = arith.constant 0 : i32
    %dma_wait3A_268 = arith.constant 0 : i32
    %dma_wait3A_269 = tpu.memref_slice %arg2[%dma_wait3A_267, %dma_wait3A_268] : memref<7936x128xf32, #tpu.memory_space<hbm>> -> memref<7936x128xf32, #tpu.memory_space<hbm>>
    tpu.wait_indirect_dma semaphore(%arg9 : memref<!tpu.dma_semaphore, #tpu.memory_space<semaphore_mem>>) src(%dma_wait3A_269 : memref<7936x128xf32, #tpu.memory_space<hbm>>) dst(%dma_wait3A_264 : memref<128x128xf32, #tpu.memory_space<vmem>>)
    %dma_wait3A_270 = arith.constant 256 : i32
    %dma_wait3A_271 = arith.constant 0 : i32
    %dma_wait3A_272 = tpu.memref_slice %arg7[%dma_wait3A_270, %dma_wait3A_271] : memref<512x128xf32, #tpu.memory_space<vmem>> -> memref<128x128xf32, #tpu.memory_space<vmem>>
    %dma_wait3A_273 = arith.constant 256 : i32
    %dma_wait3A_274 = tpu.memref_slice %arg6[%dma_wait3A_273] : memref<512xi32, #tpu.memory_space<vmem>> -> memref<128xi32, #tpu.memory_space<vmem>>
    %dma_wait3A_275 = arith.constant 0 : i32
    %dma_wait3A_276 = arith.constant 0 : i32
    %dma_wait3A_277 = tpu.memref_slice %arg2[%dma_wait3A_275, %dma_wait3A_276] : memref<7936x128xf32, #tpu.memory_space<hbm>> -> memref<7936x128xf32, #tpu.memory_space<hbm>>
    tpu.wait_indirect_dma semaphore(%arg9 : memref<!tpu.dma_semaphore, #tpu.memory_space<semaphore_mem>>) src(%dma_wait3A_277 : memref<7936x128xf32, #tpu.memory_space<hbm>>) dst(%dma_wait3A_272 : memref<128x128xf32, #tpu.memory_space<vmem>>)
    %dma_wait3A_278 = arith.constant 384 : i32
    %dma_wait3A_279 = arith.constant 0 : i32
    %dma_wait3A_280 = tpu.memref_slice %arg7[%dma_wait3A_278, %dma_wait3A_279] : memref<512x128xf32, #tpu.memory_space<vmem>> -> memref<128x128xf32, #tpu.memory_space<vmem>>
    %dma_wait3A_281 = arith.constant 384 : i32
    %dma_wait3A_282 = tpu.memref_slice %arg6[%dma_wait3A_281] : memref<512xi32, #tpu.memory_space<vmem>> -> memref<128xi32, #tpu.memory_space<vmem>>
    %dma_wait3A_283 = arith.constant 0 : i32
    %dma_wait3A_284 = arith.constant 0 : i32
    %dma_wait3A_285 = tpu.memref_slice %arg2[%dma_wait3A_283, %dma_wait3A_284] : memref<7936x128xf32, #tpu.memory_space<hbm>> -> memref<7936x128xf32, #tpu.memory_space<hbm>>
    tpu.wait_indirect_dma semaphore(%arg9 : memref<!tpu.dma_semaphore, #tpu.memory_space<semaphore_mem>>) src(%dma_wait3A_285 : memref<7936x128xf32, #tpu.memory_space<hbm>>) dst(%dma_wait3A_280 : memref<128x128xf32, #tpu.memory_space<vmem>>)
    %iota3A = tpu.iota {dimensions = array<i32: 0>} : vector<16xi32>
    %add3A_286 = arith.constant 0 : i32
    %add3A_287 = vector.broadcast %add3A_286 : i32 to vector<16xi32>
    %add3A_288 = arith.addi %iota3A, %add3A_287 : vector<16xi32>
    %get3A_289 = arith.constant 0 : index
    %get3A_290 = tpu.vector_load %arg5[%get3A_289] {strides = array<i32>} : memref<512xi32, #tpu.memory_space<vmem>>, vector<16xi32>,
    %and3A = arith.constant 127 : i32
    %and3A_291 = vector.broadcast %and3A : i32 to vector<16xi32>
    %and3A_292 = arith.andi %get3A_290, %and3A_291 : vector<16xi32>
    %gather3A = tpu.vector_load_idx %arg7[%add3A_288, %and3A_292] : memref<512x128xf32, #tpu.memory_space<vmem>>[vector<16xi32>, vector<16xi32>], vector<16xf32>,
    %swap3A_293 = arith.constant 0 : index
    %swap3A_294 = tpu.vector_load %arg8[%swap3A_293] {strides = array<i32>} : memref<512xf32, #tpu.memory_space<vmem>>, vector<16xf32>,
    tpu.vector_store %arg8[%swap3A_293], %gather3A {strides = array<i32>} : memref<512xf32, #tpu.memory_space<vmem>>, vector<16xf32>,
    %iota3A_295 = tpu.iota {dimensions = array<i32: 0>} : vector<16xi32>
    %add3A_296 = arith.constant 16 : i32
    %add3A_297 = vector.broadcast %add3A_296 : i32 to vector<16xi32>
    %add3A_298 = arith.addi %iota3A_295, %add3A_297 : vector<16xi32>
    %get3A_299 = arith.constant 16 : index
    %get3A_300 = tpu.vector_load %arg5[%get3A_299] {strides = array<i32>} : memref<512xi32, #tpu.memory_space<vmem>>, vector<16xi32>,
    %and3A_301 = arith.constant 127 : i32
    %and3A_302 = vector.broadcast %and3A_301 : i32 to vector<16xi32>
    %and3A_303 = arith.andi %get3A_300, %and3A_302 : vector<16xi32>
    %gather3A_304 = tpu.vector_load_idx %arg7[%add3A_298, %and3A_303] : memref<512x128xf32, #tpu.memory_space<vmem>>[vector<16xi32>, vector<16xi32>], vector<16xf32>,
    %swap3A_305 = arith.constant 16 : index
    %swap3A_306 = tpu.vector_load %arg8[%swap3A_305] {strides = array<i32>} : memref<512xf32, #tpu.memory_space<vmem>>, vector<16xf32>,
    tpu.vector_store %arg8[%swap3A_305], %gather3A_304 {strides = array<i32>} : memref<512xf32, #tpu.memory_space<vmem>>, vector<16xf32>,
    %iota3A_307 = tpu.iota {dimensions = array<i32: 0>} : vector<16xi32>
    %add3A_308 = arith.constant 32 : i32
    %add3A_309 = vector.broadcast %add3A_308 : i32 to vector<16xi32>
    %add3A_310 = arith.addi %iota3A_307, %add3A_309 : vector<16xi32>
    %get3A_311 = arith.constant 32 : index
    %get3A_312 = tpu.vector_load %arg5[%get3A_311] {strides = array<i32>} : memref<512xi32, #tpu.memory_space<vmem>>, vector<16xi32>,
    %and3A_313 = arith.constant 127 : i32
    %and3A_314 = vector.broadcast %and3A_313 : i32 to vector<16xi32>
    %and3A_315 = arith.andi %get3A_312, %and3A_314 : vector<16xi32>
    %gather3A_316 = tpu.vector_load_idx %arg7[%add3A_310, %and3A_315] : memref<512x128xf32, #tpu.memory_space<vmem>>[vector<16xi32>, vector<16xi32>], vector<16xf32>,
    %swap3A_317 = arith.constant 32 : index
    %swap3A_318 = tpu.vector_load %arg8[%swap3A_317] {strides = array<i32>} : memref<512xf32, #tpu.memory_space<vmem>>, vector<16xf32>,
    tpu.vector_store %arg8[%swap3A_317], %gather3A_316 {strides = array<i32>} : memref<512xf32, #tpu.memory_space<vmem>>, vector<16xf32>,
    %iota3A_319 = tpu.iota {dimensions = array<i32: 0>} : vector<16xi32>
    %add3A_320 = arith.constant 48 : i32
    %add3A_321 = vector.broadcast %add3A_320 : i32 to vector<16xi32>
    %add3A_322 = arith.addi %iota3A_319, %add3A_321 : vector<16xi32>
    %get3A_323 = arith.constant 48 : index
    %get3A_324 = tpu.vector_load %arg5[%get3A_323] {strides = array<i32>} : memref<512xi32, #tpu.memory_space<vmem>>, vector<16xi32>,
    %and3A_325 = arith.constant 127 : i32
    %and3A_326 = vector.broadcast %and3A_325 : i32 to vector<16xi32>
    %and3A_327 = arith.andi %get3A_324, %and3A_326 : vector<16xi32>
    %gather3A_328 = tpu.vector_load_idx %arg7[%add3A_322, %and3A_327] : memref<512x128xf32, #tpu.memory_space<vmem>>[vector<16xi32>, vector<16xi32>], vector<16xf32>,
    %swap3A_329 = arith.constant 48 : index
    %swap3A_330 = tpu.vector_load %arg8[%swap3A_329] {strides = array<i32>} : memref<512xf32, #tpu.memory_space<vmem>>, vector<16xf32>,
    tpu.vector_store %arg8[%swap3A_329], %gather3A_328 {strides = array<i32>} : memref<512xf32, #tpu.memory_space<vmem>>, vector<16xf32>,
    %iota3A_331 = tpu.iota {dimensions = array<i32: 0>} : vector<16xi32>
    %add3A_332 = arith.constant 64 : i32
    %add3A_333 = vector.broadcast %add3A_332 : i32 to vector<16xi32>
    %add3A_334 = arith.addi %iota3A_331, %add3A_333 : vector<16xi32>
    %get3A_335 = arith.constant 64 : index
    %get3A_336 = tpu.vector_load %arg5[%get3A_335] {strides = array<i32>} : memref<512xi32, #tpu.memory_space<vmem>>, vector<16xi32>,
    %and3A_337 = arith.constant 127 : i32
    %and3A_338 = vector.broadcast %and3A_337 : i32 to vector<16xi32>
    %and3A_339 = arith.andi %get3A_336, %and3A_338 : vector<16xi32>
    %gather3A_340 = tpu.vector_load_idx %arg7[%add3A_334, %and3A_339] : memref<512x128xf32, #tpu.memory_space<vmem>>[vector<16xi32>, vector<16xi32>], vector<16xf32>,
    %swap3A_341 = arith.constant 64 : index
    %swap3A_342 = tpu.vector_load %arg8[%swap3A_341] {strides = array<i32>} : memref<512xf32, #tpu.memory_space<vmem>>, vector<16xf32>,
    tpu.vector_store %arg8[%swap3A_341], %gather3A_340 {strides = array<i32>} : memref<512xf32, #tpu.memory_space<vmem>>, vector<16xf32>,
    %iota3A_343 = tpu.iota {dimensions = array<i32: 0>} : vector<16xi32>
    %add3A_344 = arith.constant 80 : i32
    %add3A_345 = vector.broadcast %add3A_344 : i32 to vector<16xi32>
    %add3A_346 = arith.addi %iota3A_343, %add3A_345 : vector<16xi32>
    %get3A_347 = arith.constant 80 : index
    %get3A_348 = tpu.vector_load %arg5[%get3A_347] {strides = array<i32>} : memref<512xi32, #tpu.memory_space<vmem>>, vector<16xi32>,
    %and3A_349 = arith.constant 127 : i32
    %and3A_350 = vector.broadcast %and3A_349 : i32 to vector<16xi32>
    %and3A_351 = arith.andi %get3A_348, %and3A_350 : vector<16xi32>
    %gather3A_352 = tpu.vector_load_idx %arg7[%add3A_346, %and3A_351] : memref<512x128xf32, #tpu.memory_space<vmem>>[vector<16xi32>, vector<16xi32>], vector<16xf32>,
    %swap3A_353 = arith.constant 80 : index
    %swap3A_354 = tpu.vector_load %arg8[%swap3A_353] {strides = array<i32>} : memref<512xf32, #tpu.memory_space<vmem>>, vector<16xf32>,
    tpu.vector_store %arg8[%swap3A_353], %gather3A_352 {strides = array<i32>} : memref<512xf32, #tpu.memory_space<vmem>>, vector<16xf32>,
    %iota3A_355 = tpu.iota {dimensions = array<i32: 0>} : vector<16xi32>
    %add3A_356 = arith.constant 96 : i32
    %add3A_357 = vector.broadcast %add3A_356 : i32 to vector<16xi32>
    %add3A_358 = arith.addi %iota3A_355, %add3A_357 : vector<16xi32>
    %get3A_359 = arith.constant 96 : index
    %get3A_360 = tpu.vector_load %arg5[%get3A_359] {strides = array<i32>} : memref<512xi32, #tpu.memory_space<vmem>>, vector<16xi32>,
    %and3A_361 = arith.constant 127 : i32
    %and3A_362 = vector.broadcast %and3A_361 : i32 to vector<16xi32>
    %and3A_363 = arith.andi %get3A_360, %and3A_362 : vector<16xi32>
    %gather3A_364 = tpu.vector_load_idx %arg7[%add3A_358, %and3A_363] : memref<512x128xf32, #tpu.memory_space<vmem>>[vector<16xi32>, vector<16xi32>], vector<16xf32>,
    %swap3A_365 = arith.constant 96 : index
    %swap3A_366 = tpu.vector_load %arg8[%swap3A_365] {strides = array<i32>} : memref<512xf32, #tpu.memory_space<vmem>>, vector<16xf32>,
    tpu.vector_store %arg8[%swap3A_365], %gather3A_364 {strides = array<i32>} : memref<512xf32, #tpu.memory_space<vmem>>, vector<16xf32>,
    %iota3A_367 = tpu.iota {dimensions = array<i32: 0>} : vector<16xi32>
    %add3A_368 = arith.constant 112 : i32
    %add3A_369 = vector.broadcast %add3A_368 : i32 to vector<16xi32>
    %add3A_370 = arith.addi %iota3A_367, %add3A_369 : vector<16xi32>
    %get3A_371 = arith.constant 112 : index
    %get3A_372 = tpu.vector_load %arg5[%get3A_371] {strides = array<i32>} : memref<512xi32, #tpu.memory_space<vmem>>, vector<16xi32>,
    %and3A_373 = arith.constant 127 : i32
    %and3A_374 = vector.broadcast %and3A_373 : i32 to vector<16xi32>
    %and3A_375 = arith.andi %get3A_372, %and3A_374 : vector<16xi32>
    %gather3A_376 = tpu.vector_load_idx %arg7[%add3A_370, %and3A_375] : memref<512x128xf32, #tpu.memory_space<vmem>>[vector<16xi32>, vector<16xi32>], vector<16xf32>,
    %swap3A_377 = arith.constant 112 : index
    %swap3A_378 = tpu.vector_load %arg8[%swap3A_377] {strides = array<i32>} : memref<512xf32, #tpu.memory_space<vmem>>, vector<16xf32>,
    tpu.vector_store %arg8[%swap3A_377], %gather3A_376 {strides = array<i32>} : memref<512xf32, #tpu.memory_space<vmem>>, vector<16xf32>,
    %iota3A_379 = tpu.iota {dimensions = array<i32: 0>} : vector<16xi32>
    %add3A_380 = arith.constant 128 : i32
    %add3A_381 = vector.broadcast %add3A_380 : i32 to vector<16xi32>
    %add3A_382 = arith.addi %iota3A_379, %add3A_381 : vector<16xi32>
    %get3A_383 = arith.constant 128 : index
    %get3A_384 = tpu.vector_load %arg5[%get3A_383] {strides = array<i32>} : memref<512xi32, #tpu.memory_space<vmem>>, vector<16xi32>,
    %and3A_385 = arith.constant 127 : i32
    %and3A_386 = vector.broadcast %and3A_385 : i32 to vector<16xi32>
    %and3A_387 = arith.andi %get3A_384, %and3A_386 : vector<16xi32>
    %gather3A_388 = tpu.vector_load_idx %arg7[%add3A_382, %and3A_387] : memref<512x128xf32, #tpu.memory_space<vmem>>[vector<16xi32>, vector<16xi32>], vector<16xf32>,
    %swap3A_389 = arith.constant 128 : index
    %swap3A_390 = tpu.vector_load %arg8[%swap3A_389] {strides = array<i32>} : memref<512xf32, #tpu.memory_space<vmem>>, vector<16xf32>,
    tpu.vector_store %arg8[%swap3A_389], %gather3A_388 {strides = array<i32>} : memref<512xf32, #tpu.memory_space<vmem>>, vector<16xf32>,
    %iota3A_391 = tpu.iota {dimensions = array<i32: 0>} : vector<16xi32>
    %add3A_392 = arith.constant 144 : i32
    %add3A_393 = vector.broadcast %add3A_392 : i32 to vector<16xi32>
    %add3A_394 = arith.addi %iota3A_391, %add3A_393 : vector<16xi32>
    %get3A_395 = arith.constant 144 : index
    %get3A_396 = tpu.vector_load %arg5[%get3A_395] {strides = array<i32>} : memref<512xi32, #tpu.memory_space<vmem>>, vector<16xi32>,
    %and3A_397 = arith.constant 127 : i32
    %and3A_398 = vector.broadcast %and3A_397 : i32 to vector<16xi32>
    %and3A_399 = arith.andi %get3A_396, %and3A_398 : vector<16xi32>
    %gather3A_400 = tpu.vector_load_idx %arg7[%add3A_394, %and3A_399] : memref<512x128xf32, #tpu.memory_space<vmem>>[vector<16xi32>, vector<16xi32>], vector<16xf32>,
    %swap3A_401 = arith.constant 144 : index
    %swap3A_402 = tpu.vector_load %arg8[%swap3A_401] {strides = array<i32>} : memref<512xf32, #tpu.memory_space<vmem>>, vector<16xf32>,
    tpu.vector_store %arg8[%swap3A_401], %gather3A_400 {strides = array<i32>} : memref<512xf32, #tpu.memory_space<vmem>>, vector<16xf32>,
    %iota3A_403 = tpu.iota {dimensions = array<i32: 0>} : vector<16xi32>
    %add3A_404 = arith.constant 160 : i32
    %add3A_405 = vector.broadcast %add3A_404 : i32 to vector<16xi32>
    %add3A_406 = arith.addi %iota3A_403, %add3A_405 : vector<16xi32>
    %get3A_407 = arith.constant 160 : index
    %get3A_408 = tpu.vector_load %arg5[%get3A_407] {strides = array<i32>} : memref<512xi32, #tpu.memory_space<vmem>>, vector<16xi32>,
    %and3A_409 = arith.constant 127 : i32
    %and3A_410 = vector.broadcast %and3A_409 : i32 to vector<16xi32>
    %and3A_411 = arith.andi %get3A_408, %and3A_410 : vector<16xi32>
    %gather3A_412 = tpu.vector_load_idx %arg7[%add3A_406, %and3A_411] : memref<512x128xf32, #tpu.memory_space<vmem>>[vector<16xi32>, vector<16xi32>], vector<16xf32>,
    %swap3A_413 = arith.constant 160 : index
    %swap3A_414 = tpu.vector_load %arg8[%swap3A_413] {strides = array<i32>} : memref<512xf32, #tpu.memory_space<vmem>>, vector<16xf32>,
    tpu.vector_store %arg8[%swap3A_413], %gather3A_412 {strides = array<i32>} : memref<512xf32, #tpu.memory_space<vmem>>, vector<16xf32>,
    %iota3A_415 = tpu.iota {dimensions = array<i32: 0>} : vector<16xi32>
    %add3A_416 = arith.constant 176 : i32
    %add3A_417 = vector.broadcast %add3A_416 : i32 to vector<16xi32>
    %add3A_418 = arith.addi %iota3A_415, %add3A_417 : vector<16xi32>
    %get3A_419 = arith.constant 176 : index
    %get3A_420 = tpu.vector_load %arg5[%get3A_419] {strides = array<i32>} : memref<512xi32, #tpu.memory_space<vmem>>, vector<16xi32>,
    %and3A_421 = arith.constant 127 : i32
    %and3A_422 = vector.broadcast %and3A_421 : i32 to vector<16xi32>
    %and3A_423 = arith.andi %get3A_420, %and3A_422 : vector<16xi32>
    %gather3A_424 = tpu.vector_load_idx %arg7[%add3A_418, %and3A_423] : memref<512x128xf32, #tpu.memory_space<vmem>>[vector<16xi32>, vector<16xi32>], vector<16xf32>,
    %swap3A_425 = arith.constant 176 : index
    %swap3A_426 = tpu.vector_load %arg8[%swap3A_425] {strides = array<i32>} : memref<512xf32, #tpu.memory_space<vmem>>, vector<16xf32>,
    tpu.vector_store %arg8[%swap3A_425], %gather3A_424 {strides = array<i32>} : memref<512xf32, #tpu.memory_space<vmem>>, vector<16xf32>,
    %iota3A_427 = tpu.iota {dimensions = array<i32: 0>} : vector<16xi32>
    %add3A_428 = arith.constant 192 : i32
    %add3A_429 = vector.broadcast %add3A_428 : i32 to vector<16xi32>
    %add3A_430 = arith.addi %iota3A_427, %add3A_429 : vector<16xi32>
    %get3A_431 = arith.constant 192 : index
    %get3A_432 = tpu.vector_load %arg5[%get3A_431] {strides = array<i32>} : memref<512xi32, #tpu.memory_space<vmem>>, vector<16xi32>,
    %and3A_433 = arith.constant 127 : i32
    %and3A_434 = vector.broadcast %and3A_433 : i32 to vector<16xi32>
    %and3A_435 = arith.andi %get3A_432, %and3A_434 : vector<16xi32>
    %gather3A_436 = tpu.vector_load_idx %arg7[%add3A_430, %and3A_435] : memref<512x128xf32, #tpu.memory_space<vmem>>[vector<16xi32>, vector<16xi32>], vector<16xf32>,
    %swap3A_437 = arith.constant 192 : index
    %swap3A_438 = tpu.vector_load %arg8[%swap3A_437] {strides = array<i32>} : memref<512xf32, #tpu.memory_space<vmem>>, vector<16xf32>,
    tpu.vector_store %arg8[%swap3A_437], %gather3A_436 {strides = array<i32>} : memref<512xf32, #tpu.memory_space<vmem>>, vector<16xf32>,
    %iota3A_439 = tpu.iota {dimensions = array<i32: 0>} : vector<16xi32>
    %add3A_440 = arith.constant 208 : i32
    %add3A_441 = vector.broadcast %add3A_440 : i32 to vector<16xi32>
    %add3A_442 = arith.addi %iota3A_439, %add3A_441 : vector<16xi32>
    %get3A_443 = arith.constant 208 : index
    %get3A_444 = tpu.vector_load %arg5[%get3A_443] {strides = array<i32>} : memref<512xi32, #tpu.memory_space<vmem>>, vector<16xi32>,
    %and3A_445 = arith.constant 127 : i32
    %and3A_446 = vector.broadcast %and3A_445 : i32 to vector<16xi32>
    %and3A_447 = arith.andi %get3A_444, %and3A_446 : vector<16xi32>
    %gather3A_448 = tpu.vector_load_idx %arg7[%add3A_442, %and3A_447] : memref<512x128xf32, #tpu.memory_space<vmem>>[vector<16xi32>, vector<16xi32>], vector<16xf32>,
    %swap3A_449 = arith.constant 208 : index
    %swap3A_450 = tpu.vector_load %arg8[%swap3A_449] {strides = array<i32>} : memref<512xf32, #tpu.memory_space<vmem>>, vector<16xf32>,
    tpu.vector_store %arg8[%swap3A_449], %gather3A_448 {strides = array<i32>} : memref<512xf32, #tpu.memory_space<vmem>>, vector<16xf32>,
    %iota3A_451 = tpu.iota {dimensions = array<i32: 0>} : vector<16xi32>
    %add3A_452 = arith.constant 224 : i32
    %add3A_453 = vector.broadcast %add3A_452 : i32 to vector<16xi32>
    %add3A_454 = arith.addi %iota3A_451, %add3A_453 : vector<16xi32>
    %get3A_455 = arith.constant 224 : index
    %get3A_456 = tpu.vector_load %arg5[%get3A_455] {strides = array<i32>} : memref<512xi32, #tpu.memory_space<vmem>>, vector<16xi32>,
    %and3A_457 = arith.constant 127 : i32
    %and3A_458 = vector.broadcast %and3A_457 : i32 to vector<16xi32>
    %and3A_459 = arith.andi %get3A_456, %and3A_458 : vector<16xi32>
    %gather3A_460 = tpu.vector_load_idx %arg7[%add3A_454, %and3A_459] : memref<512x128xf32, #tpu.memory_space<vmem>>[vector<16xi32>, vector<16xi32>], vector<16xf32>,
    %swap3A_461 = arith.constant 224 : index
    %swap3A_462 = tpu.vector_load %arg8[%swap3A_461] {strides = array<i32>} : memref<512xf32, #tpu.memory_space<vmem>>, vector<16xf32>,
    tpu.vector_store %arg8[%swap3A_461], %gather3A_460 {strides = array<i32>} : memref<512xf32, #tpu.memory_space<vmem>>, vector<16xf32>,
    %iota3A_463 = tpu.iota {dimensions = array<i32: 0>} : vector<16xi32>
    %add3A_464 = arith.constant 240 : i32
    %add3A_465 = vector.broadcast %add3A_464 : i32 to vector<16xi32>
    %add3A_466 = arith.addi %iota3A_463, %add3A_465 : vector<16xi32>
    %get3A_467 = arith.constant 240 : index
    %get3A_468 = tpu.vector_load %arg5[%get3A_467] {strides = array<i32>} : memref<512xi32, #tpu.memory_space<vmem>>, vector<16xi32>,
    %and3A_469 = arith.constant 127 : i32
    %and3A_470 = vector.broadcast %and3A_469 : i32 to vector<16xi32>
    %and3A_471 = arith.andi %get3A_468, %and3A_470 : vector<16xi32>
    %gather3A_472 = tpu.vector_load_idx %arg7[%add3A_466, %and3A_471] : memref<512x128xf32, #tpu.memory_space<vmem>>[vector<16xi32>, vector<16xi32>], vector<16xf32>,
    %swap3A_473 = arith.constant 240 : index
    %swap3A_474 = tpu.vector_load %arg8[%swap3A_473] {strides = array<i32>} : memref<512xf32, #tpu.memory_space<vmem>>, vector<16xf32>,
    tpu.vector_store %arg8[%swap3A_473], %gather3A_472 {strides = array<i32>} : memref<512xf32, #tpu.memory_space<vmem>>, vector<16xf32>,
    %iota3A_475 = tpu.iota {dimensions = array<i32: 0>} : vector<16xi32>
    %add3A_476 = arith.constant 256 : i32
    %add3A_477 = vector.broadcast %add3A_476 : i32 to vector<16xi32>
    %add3A_478 = arith.addi %iota3A_475, %add3A_477 : vector<16xi32>
    %get3A_479 = arith.constant 256 : index
    %get3A_480 = tpu.vector_load %arg5[%get3A_479] {strides = array<i32>} : memref<512xi32, #tpu.memory_space<vmem>>, vector<16xi32>,
    %and3A_481 = arith.constant 127 : i32
    %and3A_482 = vector.broadcast %and3A_481 : i32 to vector<16xi32>
    %and3A_483 = arith.andi %get3A_480, %and3A_482 : vector<16xi32>
    %gather3A_484 = tpu.vector_load_idx %arg7[%add3A_478, %and3A_483] : memref<512x128xf32, #tpu.memory_space<vmem>>[vector<16xi32>, vector<16xi32>], vector<16xf32>,
    %swap3A_485 = arith.constant 256 : index
    %swap3A_486 = tpu.vector_load %arg8[%swap3A_485] {strides = array<i32>} : memref<512xf32, #tpu.memory_space<vmem>>, vector<16xf32>,
    tpu.vector_store %arg8[%swap3A_485], %gather3A_484 {strides = array<i32>} : memref<512xf32, #tpu.memory_space<vmem>>, vector<16xf32>,
    %iota3A_487 = tpu.iota {dimensions = array<i32: 0>} : vector<16xi32>
    %add3A_488 = arith.constant 272 : i32
    %add3A_489 = vector.broadcast %add3A_488 : i32 to vector<16xi32>
    %add3A_490 = arith.addi %iota3A_487, %add3A_489 : vector<16xi32>
    %get3A_491 = arith.constant 272 : index
    %get3A_492 = tpu.vector_load %arg5[%get3A_491] {strides = array<i32>} : memref<512xi32, #tpu.memory_space<vmem>>, vector<16xi32>,
    %and3A_493 = arith.constant 127 : i32
    %and3A_494 = vector.broadcast %and3A_493 : i32 to vector<16xi32>
    %and3A_495 = arith.andi %get3A_492, %and3A_494 : vector<16xi32>
    %gather3A_496 = tpu.vector_load_idx %arg7[%add3A_490, %and3A_495] : memref<512x128xf32, #tpu.memory_space<vmem>>[vector<16xi32>, vector<16xi32>], vector<16xf32>,
    %swap3A_497 = arith.constant 272 : index
    %swap3A_498 = tpu.vector_load %arg8[%swap3A_497] {strides = array<i32>} : memref<512xf32, #tpu.memory_space<vmem>>, vector<16xf32>,
    tpu.vector_store %arg8[%swap3A_497], %gather3A_496 {strides = array<i32>} : memref<512xf32, #tpu.memory_space<vmem>>, vector<16xf32>,
    %iota3A_499 = tpu.iota {dimensions = array<i32: 0>} : vector<16xi32>
    %add3A_500 = arith.constant 288 : i32
    %add3A_501 = vector.broadcast %add3A_500 : i32 to vector<16xi32>
    %add3A_502 = arith.addi %iota3A_499, %add3A_501 : vector<16xi32>
    %get3A_503 = arith.constant 288 : index
    %get3A_504 = tpu.vector_load %arg5[%get3A_503] {strides = array<i32>} : memref<512xi32, #tpu.memory_space<vmem>>, vector<16xi32>,
    %and3A_505 = arith.constant 127 : i32
    %and3A_506 = vector.broadcast %and3A_505 : i32 to vector<16xi32>
    %and3A_507 = arith.andi %get3A_504, %and3A_506 : vector<16xi32>
    %gather3A_508 = tpu.vector_load_idx %arg7[%add3A_502, %and3A_507] : memref<512x128xf32, #tpu.memory_space<vmem>>[vector<16xi32>, vector<16xi32>], vector<16xf32>,
    %swap3A_509 = arith.constant 288 : index
    %swap3A_510 = tpu.vector_load %arg8[%swap3A_509] {strides = array<i32>} : memref<512xf32, #tpu.memory_space<vmem>>, vector<16xf32>,
    tpu.vector_store %arg8[%swap3A_509], %gather3A_508 {strides = array<i32>} : memref<512xf32, #tpu.memory_space<vmem>>, vector<16xf32>,
    %iota3A_511 = tpu.iota {dimensions = array<i32: 0>} : vector<16xi32>
    %add3A_512 = arith.constant 304 : i32
    %add3A_513 = vector.broadcast %add3A_512 : i32 to vector<16xi32>
    %add3A_514 = arith.addi %iota3A_511, %add3A_513 : vector<16xi32>
    %get3A_515 = arith.constant 304 : index
    %get3A_516 = tpu.vector_load %arg5[%get3A_515] {strides = array<i32>} : memref<512xi32, #tpu.memory_space<vmem>>, vector<16xi32>,
    %and3A_517 = arith.constant 127 : i32
    %and3A_518 = vector.broadcast %and3A_517 : i32 to vector<16xi32>
    %and3A_519 = arith.andi %get3A_516, %and3A_518 : vector<16xi32>
    %gather3A_520 = tpu.vector_load_idx %arg7[%add3A_514, %and3A_519] : memref<512x128xf32, #tpu.memory_space<vmem>>[vector<16xi32>, vector<16xi32>], vector<16xf32>,
    %swap3A_521 = arith.constant 304 : index
    %swap3A_522 = tpu.vector_load %arg8[%swap3A_521] {strides = array<i32>} : memref<512xf32, #tpu.memory_space<vmem>>, vector<16xf32>,
    tpu.vector_store %arg8[%swap3A_521], %gather3A_520 {strides = array<i32>} : memref<512xf32, #tpu.memory_space<vmem>>, vector<16xf32>,
    %iota3A_523 = tpu.iota {dimensions = array<i32: 0>} : vector<16xi32>
    %add3A_524 = arith.constant 320 : i32
    %add3A_525 = vector.broadcast %add3A_524 : i32 to vector<16xi32>
    %add3A_526 = arith.addi %iota3A_523, %add3A_525 : vector<16xi32>
    %get3A_527 = arith.constant 320 : index
    %get3A_528 = tpu.vector_load %arg5[%get3A_527] {strides = array<i32>} : memref<512xi32, #tpu.memory_space<vmem>>, vector<16xi32>,
    %and3A_529 = arith.constant 127 : i32
    %and3A_530 = vector.broadcast %and3A_529 : i32 to vector<16xi32>
    %and3A_531 = arith.andi %get3A_528, %and3A_530 : vector<16xi32>
    %gather3A_532 = tpu.vector_load_idx %arg7[%add3A_526, %and3A_531] : memref<512x128xf32, #tpu.memory_space<vmem>>[vector<16xi32>, vector<16xi32>], vector<16xf32>,
    %swap3A_533 = arith.constant 320 : index
    %swap3A_534 = tpu.vector_load %arg8[%swap3A_533] {strides = array<i32>} : memref<512xf32, #tpu.memory_space<vmem>>, vector<16xf32>,
    tpu.vector_store %arg8[%swap3A_533], %gather3A_532 {strides = array<i32>} : memref<512xf32, #tpu.memory_space<vmem>>, vector<16xf32>,
    %iota3A_535 = tpu.iota {dimensions = array<i32: 0>} : vector<16xi32>
    %add3A_536 = arith.constant 336 : i32
    %add3A_537 = vector.broadcast %add3A_536 : i32 to vector<16xi32>
    %add3A_538 = arith.addi %iota3A_535, %add3A_537 : vector<16xi32>
    %get3A_539 = arith.constant 336 : index
    %get3A_540 = tpu.vector_load %arg5[%get3A_539] {strides = array<i32>} : memref<512xi32, #tpu.memory_space<vmem>>, vector<16xi32>,
    %and3A_541 = arith.constant 127 : i32
    %and3A_542 = vector.broadcast %and3A_541 : i32 to vector<16xi32>
    %and3A_543 = arith.andi %get3A_540, %and3A_542 : vector<16xi32>
    %gather3A_544 = tpu.vector_load_idx %arg7[%add3A_538, %and3A_543] : memref<512x128xf32, #tpu.memory_space<vmem>>[vector<16xi32>, vector<16xi32>], vector<16xf32>,
    %swap3A_545 = arith.constant 336 : index
    %swap3A_546 = tpu.vector_load %arg8[%swap3A_545] {strides = array<i32>} : memref<512xf32, #tpu.memory_space<vmem>>, vector<16xf32>,
    tpu.vector_store %arg8[%swap3A_545], %gather3A_544 {strides = array<i32>} : memref<512xf32, #tpu.memory_space<vmem>>, vector<16xf32>,
    %iota3A_547 = tpu.iota {dimensions = array<i32: 0>} : vector<16xi32>
    %add3A_548 = arith.constant 352 : i32
    %add3A_549 = vector.broadcast %add3A_548 : i32 to vector<16xi32>
    %add3A_550 = arith.addi %iota3A_547, %add3A_549 : vector<16xi32>
    %get3A_551 = arith.constant 352 : index
    %get3A_552 = tpu.vector_load %arg5[%get3A_551] {strides = array<i32>} : memref<512xi32, #tpu.memory_space<vmem>>, vector<16xi32>,
    %and3A_553 = arith.constant 127 : i32
    %and3A_554 = vector.broadcast %and3A_553 : i32 to vector<16xi32>
    %and3A_555 = arith.andi %get3A_552, %and3A_554 : vector<16xi32>
    %gather3A_556 = tpu.vector_load_idx %arg7[%add3A_550, %and3A_555] : memref<512x128xf32, #tpu.memory_space<vmem>>[vector<16xi32>, vector<16xi32>], vector<16xf32>,
    %swap3A_557 = arith.constant 352 : index
    %swap3A_558 = tpu.vector_load %arg8[%swap3A_557] {strides = array<i32>} : memref<512xf32, #tpu.memory_space<vmem>>, vector<16xf32>,
    tpu.vector_store %arg8[%swap3A_557], %gather3A_556 {strides = array<i32>} : memref<512xf32, #tpu.memory_space<vmem>>, vector<16xf32>,
    %iota3A_559 = tpu.iota {dimensions = array<i32: 0>} : vector<16xi32>
    %add3A_560 = arith.constant 368 : i32
    %add3A_561 = vector.broadcast %add3A_560 : i32 to vector<16xi32>
    %add3A_562 = arith.addi %iota3A_559, %add3A_561 : vector<16xi32>
    %get3A_563 = arith.constant 368 : index
    %get3A_564 = tpu.vector_load %arg5[%get3A_563] {strides = array<i32>} : memref<512xi32, #tpu.memory_space<vmem>>, vector<16xi32>,
    %and3A_565 = arith.constant 127 : i32
    %and3A_566 = vector.broadcast %and3A_565 : i32 to vector<16xi32>
    %and3A_567 = arith.andi %get3A_564, %and3A_566 : vector<16xi32>
    %gather3A_568 = tpu.vector_load_idx %arg7[%add3A_562, %and3A_567] : memref<512x128xf32, #tpu.memory_space<vmem>>[vector<16xi32>, vector<16xi32>], vector<16xf32>,
    %swap3A_569 = arith.constant 368 : index
    %swap3A_570 = tpu.vector_load %arg8[%swap3A_569] {strides = array<i32>} : memref<512xf32, #tpu.memory_space<vmem>>, vector<16xf32>,
    tpu.vector_store %arg8[%swap3A_569], %gather3A_568 {strides = array<i32>} : memref<512xf32, #tpu.memory_space<vmem>>, vector<16xf32>,
    %iota3A_571 = tpu.iota {dimensions = array<i32: 0>} : vector<16xi32>
    %add3A_572 = arith.constant 384 : i32
    %add3A_573 = vector.broadcast %add3A_572 : i32 to vector<16xi32>
    %add3A_574 = arith.addi %iota3A_571, %add3A_573 : vector<16xi32>
    %get3A_575 = arith.constant 384 : index
    %get3A_576 = tpu.vector_load %arg5[%get3A_575] {strides = array<i32>} : memref<512xi32, #tpu.memory_space<vmem>>, vector<16xi32>,
    %and3A_577 = arith.constant 127 : i32
    %and3A_578 = vector.broadcast %and3A_577 : i32 to vector<16xi32>
    %and3A_579 = arith.andi %get3A_576, %and3A_578 : vector<16xi32>
    %gather3A_580 = tpu.vector_load_idx %arg7[%add3A_574, %and3A_579] : memref<512x128xf32, #tpu.memory_space<vmem>>[vector<16xi32>, vector<16xi32>], vector<16xf32>,
    %swap3A_581 = arith.constant 384 : index
    %swap3A_582 = tpu.vector_load %arg8[%swap3A_581] {strides = array<i32>} : memref<512xf32, #tpu.memory_space<vmem>>, vector<16xf32>,
    tpu.vector_store %arg8[%swap3A_581], %gather3A_580 {strides = array<i32>} : memref<512xf32, #tpu.memory_space<vmem>>, vector<16xf32>,
    %iota3A_583 = tpu.iota {dimensions = array<i32: 0>} : vector<16xi32>
    %add3A_584 = arith.constant 400 : i32
    %add3A_585 = vector.broadcast %add3A_584 : i32 to vector<16xi32>
    %add3A_586 = arith.addi %iota3A_583, %add3A_585 : vector<16xi32>
    %get3A_587 = arith.constant 400 : index
    %get3A_588 = tpu.vector_load %arg5[%get3A_587] {strides = array<i32>} : memref<512xi32, #tpu.memory_space<vmem>>, vector<16xi32>,
    %and3A_589 = arith.constant 127 : i32
    %and3A_590 = vector.broadcast %and3A_589 : i32 to vector<16xi32>
    %and3A_591 = arith.andi %get3A_588, %and3A_590 : vector<16xi32>
    %gather3A_592 = tpu.vector_load_idx %arg7[%add3A_586, %and3A_591] : memref<512x128xf32, #tpu.memory_space<vmem>>[vector<16xi32>, vector<16xi32>], vector<16xf32>,
    %swap3A_593 = arith.constant 400 : index
    %swap3A_594 = tpu.vector_load %arg8[%swap3A_593] {strides = array<i32>} : memref<512xf32, #tpu.memory_space<vmem>>, vector<16xf32>,
    tpu.vector_store %arg8[%swap3A_593], %gather3A_592 {strides = array<i32>} : memref<512xf32, #tpu.memory_space<vmem>>, vector<16xf32>,
    %iota3A_595 = tpu.iota {dimensions = array<i32: 0>} : vector<16xi32>
    %add3A_596 = arith.constant 416 : i32
    %add3A_597 = vector.broadcast %add3A_596 : i32 to vector<16xi32>
    %add3A_598 = arith.addi %iota3A_595, %add3A_597 : vector<16xi32>
    %get3A_599 = arith.constant 416 : index
    %get3A_600 = tpu.vector_load %arg5[%get3A_599] {strides = array<i32>} : memref<512xi32, #tpu.memory_space<vmem>>, vector<16xi32>,
    %and3A_601 = arith.constant 127 : i32
    %and3A_602 = vector.broadcast %and3A_601 : i32 to vector<16xi32>
    %and3A_603 = arith.andi %get3A_600, %and3A_602 : vector<16xi32>
    %gather3A_604 = tpu.vector_load_idx %arg7[%add3A_598, %and3A_603] : memref<512x128xf32, #tpu.memory_space<vmem>>[vector<16xi32>, vector<16xi32>], vector<16xf32>,
    %swap3A_605 = arith.constant 416 : index
    %swap3A_606 = tpu.vector_load %arg8[%swap3A_605] {strides = array<i32>} : memref<512xf32, #tpu.memory_space<vmem>>, vector<16xf32>,
    tpu.vector_store %arg8[%swap3A_605], %gather3A_604 {strides = array<i32>} : memref<512xf32, #tpu.memory_space<vmem>>, vector<16xf32>,
    %iota3A_607 = tpu.iota {dimensions = array<i32: 0>} : vector<16xi32>
    %add3A_608 = arith.constant 432 : i32
    %add3A_609 = vector.broadcast %add3A_608 : i32 to vector<16xi32>
    %add3A_610 = arith.addi %iota3A_607, %add3A_609 : vector<16xi32>
    %get3A_611 = arith.constant 432 : index
    %get3A_612 = tpu.vector_load %arg5[%get3A_611] {strides = array<i32>} : memref<512xi32, #tpu.memory_space<vmem>>, vector<16xi32>,
    %and3A_613 = arith.constant 127 : i32
    %and3A_614 = vector.broadcast %and3A_613 : i32 to vector<16xi32>
    %and3A_615 = arith.andi %get3A_612, %and3A_614 : vector<16xi32>
    %gather3A_616 = tpu.vector_load_idx %arg7[%add3A_610, %and3A_615] : memref<512x128xf32, #tpu.memory_space<vmem>>[vector<16xi32>, vector<16xi32>], vector<16xf32>,
    %swap3A_617 = arith.constant 432 : index
    %swap3A_618 = tpu.vector_load %arg8[%swap3A_617] {strides = array<i32>} : memref<512xf32, #tpu.memory_space<vmem>>, vector<16xf32>,
    tpu.vector_store %arg8[%swap3A_617], %gather3A_616 {strides = array<i32>} : memref<512xf32, #tpu.memory_space<vmem>>, vector<16xf32>,
    %iota3A_619 = tpu.iota {dimensions = array<i32: 0>} : vector<16xi32>
    %add3A_620 = arith.constant 448 : i32
    %add3A_621 = vector.broadcast %add3A_620 : i32 to vector<16xi32>
    %add3A_622 = arith.addi %iota3A_619, %add3A_621 : vector<16xi32>
    %get3A_623 = arith.constant 448 : index
    %get3A_624 = tpu.vector_load %arg5[%get3A_623] {strides = array<i32>} : memref<512xi32, #tpu.memory_space<vmem>>, vector<16xi32>,
    %and3A_625 = arith.constant 127 : i32
    %and3A_626 = vector.broadcast %and3A_625 : i32 to vector<16xi32>
    %and3A_627 = arith.andi %get3A_624, %and3A_626 : vector<16xi32>
    %gather3A_628 = tpu.vector_load_idx %arg7[%add3A_622, %and3A_627] : memref<512x128xf32, #tpu.memory_space<vmem>>[vector<16xi32>, vector<16xi32>], vector<16xf32>,
    %swap3A_629 = arith.constant 448 : index
    %swap3A_630 = tpu.vector_load %arg8[%swap3A_629] {strides = array<i32>} : memref<512xf32, #tpu.memory_space<vmem>>, vector<16xf32>,
    tpu.vector_store %arg8[%swap3A_629], %gather3A_628 {strides = array<i32>} : memref<512xf32, #tpu.memory_space<vmem>>, vector<16xf32>,
    %iota3A_631 = tpu.iota {dimensions = array<i32: 0>} : vector<16xi32>
    %add3A_632 = arith.constant 464 : i32
    %add3A_633 = vector.broadcast %add3A_632 : i32 to vector<16xi32>
    %add3A_634 = arith.addi %iota3A_631, %add3A_633 : vector<16xi32>
    %get3A_635 = arith.constant 464 : index
    %get3A_636 = tpu.vector_load %arg5[%get3A_635] {strides = array<i32>} : memref<512xi32, #tpu.memory_space<vmem>>, vector<16xi32>,
    %and3A_637 = arith.constant 127 : i32
    %and3A_638 = vector.broadcast %and3A_637 : i32 to vector<16xi32>
    %and3A_639 = arith.andi %get3A_636, %and3A_638 : vector<16xi32>
    %gather3A_640 = tpu.vector_load_idx %arg7[%add3A_634, %and3A_639] : memref<512x128xf32, #tpu.memory_space<vmem>>[vector<16xi32>, vector<16xi32>], vector<16xf32>,
    %swap3A_641 = arith.constant 464 : index
    %swap3A_642 = tpu.vector_load %arg8[%swap3A_641] {strides = array<i32>} : memref<512xf32, #tpu.memory_space<vmem>>, vector<16xf32>,
    tpu.vector_store %arg8[%swap3A_641], %gather3A_640 {strides = array<i32>} : memref<512xf32, #tpu.memory_space<vmem>>, vector<16xf32>,
    %iota3A_643 = tpu.iota {dimensions = array<i32: 0>} : vector<16xi32>
    %add3A_644 = arith.constant 480 : i32
    %add3A_645 = vector.broadcast %add3A_644 : i32 to vector<16xi32>
    %add3A_646 = arith.addi %iota3A_643, %add3A_645 : vector<16xi32>
    %get3A_647 = arith.constant 480 : index
    %get3A_648 = tpu.vector_load %arg5[%get3A_647] {strides = array<i32>} : memref<512xi32, #tpu.memory_space<vmem>>, vector<16xi32>,
    %and3A_649 = arith.constant 127 : i32
    %and3A_650 = vector.broadcast %and3A_649 : i32 to vector<16xi32>
    %and3A_651 = arith.andi %get3A_648, %and3A_650 : vector<16xi32>
    %gather3A_652 = tpu.vector_load_idx %arg7[%add3A_646, %and3A_651] : memref<512x128xf32, #tpu.memory_space<vmem>>[vector<16xi32>, vector<16xi32>], vector<16xf32>,
    %swap3A_653 = arith.constant 480 : index
    %swap3A_654 = tpu.vector_load %arg8[%swap3A_653] {strides = array<i32>} : memref<512xf32, #tpu.memory_space<vmem>>, vector<16xf32>,
    tpu.vector_store %arg8[%swap3A_653], %gather3A_652 {strides = array<i32>} : memref<512xf32, #tpu.memory_space<vmem>>, vector<16xf32>,
    %iota3A_655 = tpu.iota {dimensions = array<i32: 0>} : vector<16xi32>
    %add3A_656 = arith.constant 496 : i32
    %add3A_657 = vector.broadcast %add3A_656 : i32 to vector<16xi32>
    %add3A_658 = arith.addi %iota3A_655, %add3A_657 : vector<16xi32>
    %get3A_659 = arith.constant 496 : index
    %get3A_660 = tpu.vector_load %arg5[%get3A_659] {strides = array<i32>} : memref<512xi32, #tpu.memory_space<vmem>>, vector<16xi32>,
    %and3A_661 = arith.constant 127 : i32
    %and3A_662 = vector.broadcast %and3A_661 : i32 to vector<16xi32>
    %and3A_663 = arith.andi %get3A_660, %and3A_662 : vector<16xi32>
    %gather3A_664 = tpu.vector_load_idx %arg7[%add3A_658, %and3A_663] : memref<512x128xf32, #tpu.memory_space<vmem>>[vector<16xi32>, vector<16xi32>], vector<16xf32>,
    %swap3A_665 = arith.constant 496 : index
    %swap3A_666 = tpu.vector_load %arg8[%swap3A_665] {strides = array<i32>} : memref<512xf32, #tpu.memory_space<vmem>>, vector<16xf32>,
    tpu.vector_store %arg8[%swap3A_665], %gather3A_664 {strides = array<i32>} : memref<512xf32, #tpu.memory_space<vmem>>, vector<16xf32>,
    "tpu.region"() ({
      %run_scoped3A = tpu.sem_alloc : memref<!tpu.dma_semaphore, #tpu.memory_space<semaphore_mem>>
      %dma_start3A_667 = tpu.memref_slice %arg4[%mul3A_2] : memref<16384xf32, #tpu.memory_space<hbm>> -> memref<512xf32, #tpu.memory_space<hbm>>
      %dma_start3A_668 = tpu.memref_slice %arg4[%mul3A_2] : memref<16384xf32, #tpu.memory_space<hbm>> -> memref<512xf32, #tpu.memory_space<hbm>>
      tpu.enqueue_dma source(%arg8 : memref<512xf32, #tpu.memory_space<vmem>>) target(%dma_start3A_668 : memref<512xf32, #tpu.memory_space<hbm>>) target_semaphore(%run_scoped3A : memref<!tpu.dma_semaphore, #tpu.memory_space<semaphore_mem>>)
      %dma_wait3A_669 = tpu.memref_slice %arg4[%mul3A_2] : memref<16384xf32, #tpu.memory_space<hbm>> -> memref<512xf32, #tpu.memory_space<hbm>>
      %dma_wait3A_670 = tpu.memref_slice %arg4[%mul3A_2] : memref<16384xf32, #tpu.memory_space<hbm>> -> memref<512xf32, #tpu.memory_space<hbm>>
      tpu.wait_dma2 semaphore(%run_scoped3A : memref<!tpu.dma_semaphore, #tpu.memory_space<semaphore_mem>>) src(%arg8 : memref<512xf32, #tpu.memory_space<vmem>>) dst(%dma_wait3A_670 : memref<512xf32, #tpu.memory_space<hbm>>)
      tpu.yield
    }) : () -> ()
    return
  }
}

module attributes {stable_mosaic.version = 14 : i64} {
  func.func @_scan_body(%arg0: i32, %arg1: memref<64x32768xf32, #tpu.memory_space<vmem>>, %arg2: memref<32x64xf32, #tpu.memory_space<vmem>>, %arg3: memref<32x1xf32, #tpu.memory_space<vmem>>, %arg4: memref<256x128xf32, #tpu.memory_space<vmem>>) attributes {dimension_semantics = [#tpu.dimension_semantics<arbitrary>], iteration_bounds = array<i64: 31>, scalar_prefetch = 0 : i64, scratch_operands = 0 : i64, tpu.core_type = #tpu.core_type<tc>, window_params = [{transform_indices = @transform_0, window_bounds = array<i64: 64, 32768>}, {pipeline_mode = #tpu.pipeline_mode<synchronous>, transform_indices = @transform_1, window_bounds = array<i64: 32, 64>}, {pipeline_mode = #tpu.pipeline_mode<synchronous>, transform_indices = @transform_2, window_bounds = array<i64: 32, 1>}, {transform_indices = @transform_3, window_bounds = array<i64: 256, 128>}]} {
    %get3A = arith.constant 0 : index
    %get3A_0 = arith.constant 0 : index
    %get3A_1 = vector.load %arg2[%get3A, %get3A_0] : memref<32x64xf32, #tpu.memory_space<vmem>>, vector<32x64xf32>
    %get3A_2 = arith.constant 0 : index
    %get3A_3 = arith.constant 0 : index
    %get3A_4 = vector.load %arg1[%get3A_2, %get3A_3] : memref<64x32768xf32, #tpu.memory_space<vmem>>, vector<64x32768xf32>
    %dot_general3A = arith.constant dense<0.000000e+00> : vector<32x32768xf32>
    %dot_general3A_5 = tpu.matmul %get3A_1, %get3A_4, %dot_general3A {dimension_numbers = #tpu.dot_dimension_numbers<[1], [0], [0], [1], [0, 0, 1, 1], [], []>, transpose_lhs_hint = false} : vector<32x64xf32>, vector<64x32768xf32>, vector<32x32768xf32> -> vector<32x32768xf32>
    %get3A_6 = arith.constant 0 : index
    %get3A_7 = arith.constant 0 : index
    %get3A_8 = vector.load %arg3[%get3A_6, %get3A_7] : memref<32x1xf32, #tpu.memory_space<vmem>>, vector<32x1xf32>
    %add3A = vector.broadcast %get3A_8 : vector<32x1xf32> to vector<32x32768xf32>
    %add3A_9 = arith.addf %dot_general3A_5, %add3A : vector<32x32768xf32>
    %mul3A = arith.mulf %add3A_9, %add3A_9 : vector<32x32768xf32>
    %reduce_sum3A = arith.constant dense<0.000000e+00> : vector<32768xf32>
    %reduce_sum3A_10 = vector.multi_reduction <add>, %mul3A, %reduce_sum3A [0] : vector<32x32768xf32> to vector<32768xf32>
    %reshape3A = vector.shape_cast %reduce_sum3A_10 : vector<32768xf32> to vector<256x128xf32>
    %swap3A = arith.constant 0 : index
    %swap3A_11 = arith.constant 0 : index
    %swap3A_12 = vector.load %arg4[%swap3A, %swap3A_11] : memref<256x128xf32, #tpu.memory_space<vmem>>, vector<256x128xf32>
    tpu.vector_store %arg4[%swap3A, %swap3A_11], %reshape3A {strides = array<i32>} : memref<256x128xf32, #tpu.memory_space<vmem>>, vector<256x128xf32>,
    return
  }
  func.func @transform_0(%arg0: i32) -> (i32, i32) {
    %c0_i32 = arith.constant 0 : i32
    %c0_i32_0 = arith.constant 0 : i32
    return %c0_i32, %arg0 : i32, i32
  }
  func.func @transform_1(%arg0: i32) -> (i32, i32) {
    %c0_i32 = arith.constant 0 : i32
    %c0_i32_0 = arith.constant 0 : i32
    %c0_i32_1 = arith.constant 0 : i32
    return %c0_i32, %c0_i32_0 : i32, i32
  }
  func.func @transform_2(%arg0: i32) -> (i32, i32) {
    %c0_i32 = arith.constant 0 : i32
    %c0_i32_0 = arith.constant 0 : i32
    %c0_i32_1 = arith.constant 0 : i32
    return %c0_i32, %c0_i32_0 : i32, i32
  }
  func.func @transform_3(%arg0: i32) -> (i32, i32) {
    %c0_i32 = arith.constant 0 : i32
    %c0_i32_0 = arith.constant 0 : i32
    return %arg0, %c0_i32 : i32, i32
  }
}

</mosaic_0001>

<sc_bundles>
// kernel: kernel.4.cloned.1.call-start
scs
__scs_entry_jumppad:
0x0: {  	(pc) =	sbr.rel $0x88, $3  }
0x1: {  	(tag) =	ssettag $0x0;
	lr =	simm.s32 $0x1  }
0x2: {  	[smem:$0x3F9D] =	sst lr;
	_ =	strace $0xD0000000  }
0x3: {  	_ = 	snop  }
0x4: {  	_ = 	snop  }
0x5: {  	_ = 	snop  }
0x6: {  	_ = 	snop  }
0x7: {  	_ = 	snop  }
__scs_overlays_trampoline_lowered:
0x8: {  	[smem:$0x3FAC] =	sst s0  }
0x9: {  	[smem:$0x3FAD] =	sst s1  }
0xa: {  	[smem:$0x3FAE] =	sst s2  }
0xb: {  	[smem:$0x3FAF] =	sst s3  }
0xc: {  	[smem:$0x3FB0] =	sst s4  }
0xd: {  	[smem:$0x3FB1] =	sst s5  }
0xe: {  	[smem:$0x3FB2] =	sst s6  }
0xf: {  	[smem:$0x3FB3] =	sst s7  }
0x10: {  	[smem:$0x3FB4] =	sst s8  }
0x11: {  	[smem:$0x3FB5] =	sst s9;
	s0 =	simm.s32 @!p0 $0x0  }
0x12: {  	s1 =	sld [smem:$0x3F9B];
	s0 =	simm.s32 @p0 $0x1  }
0x13: {  	[smem:$0x3FB6] =	sst s0;
	s0 =	simm.s32 @!p1 $0x0  }
0x14: {  	s2 =	sld [smem:$0x3F9A];
	s0 =	simm.s32 @p1 $0x1  }
0x15: {  	[smem:$0x3FB7] =	sst s0;
	s0 =	simm.s32 @!p2 $0x0  }
0x16: {  	s3 =	sld [smem:$0x3FDB];
	s0 =	simm.s32 @p2 $0x1  }
0x17: {  	s4 =	simm.s32 $0x1BF5;
	[smem:$0x3FB9] =	sst s0  }
0x18: {  	s0 =	sld [smem:$0x3F9C];
	_ =	swait.ge [sflag:s4], $0x0  }
0x19: {  	s7 =	sld [smem:$0x3F9D]  }
0x1a: {  	s8 =	sadd.s32 $0xFFFFE003, lr  }
0x1b: {  	s9 =	sadd.s32 $0xFFFFFEF7, lr;
	s5 =	simm.s32 $0xFFFFFFFF;
	p2 =	slt.u32 s8, $0xFFFFF086  }
0x1c: {  	p1 =	slt.u32 s9, $0xF7A;
	s5 =	simm.s32 @!p2 $0x0  }
0x1d: {  	s5 =	simm.s32 @p1 $0x1;
	p0 =	seq.s32 s7, s2  }
0x1e: {  	s7 =	smul.u32 @!p0 $0xF7A, s2;
	p2 =	seq.s32 @!p0 s5, $0x0  }
0x1f: {  	s9 =	smul.u32 $0xF7A, s1;
	s8 =	simm.s32 @!p0 $0x1BF5;
	p2 =	por !p2, p0  }
0x20: {  	[sflag:s8] =	ssyncset.s32 @!p0 $0xFFFFF086;
	s6 =	sadd.s32 @!p0 s3, s7;
	s7 =	simm.s32 @!p0 $0x108  }
0x21: {  	s3 =	sadd.s32 s3, s9;
	s6 =	sadd.s32 @!p0 $0x88, s6;
	s7 =	simm.s32 @p2 $0x1082  }
0x22: {  	[simem:s7], [sflag:s8] =	dma.local @!p0 [hbm:s6], $0xF7A  }
0x23: {  	s9 =	sor.u32 $0xD0000000, s2;
	s6 =	simm.s32 $0x108;
	_ =	swait.ge @!p0 [sflag:s8], $0x0  }
0x24: {  	s3 =	sadd.s32 $0x88, s3;
	s6 =	simm.s32 @!p1 $0x1082;
	[sflag:s4] =	ssyncset.s32 $0xFFFFF086  }
0x25: {  	[simem:s6], [sflag:s4] =	dma.local [hbm:s3], $0xF7A  }
0x26: {  	[smem:$0x3F9D] =	sst s1;
	(tag) =	ssettag s2;
	_ =	strace s9  }
0x27: {  	s1 =	sld [smem:$0x3FAD]  }
0x28: {  	s2 =	sld [smem:$0x3FAE]  }
0x29: {  	s4 =	sld [smem:$0x3FB0]  }
0x2a: {  	p0 =	seq.s32 s5, $0x0;
	s5 =	sld [smem:$0x3FB1]  }
0x2b: {  	s6 =	sld [smem:$0x3FB2]  }
0x2c: {  	s7 =	sld [smem:$0x3FB3]  }
0x2d: {  	s3 =	simm.s32 $0x108;
	s8 =	sld [smem:$0x3FB4]  }
0x2e: {  	s3 =	simm.s32 @!p0 $0x1082;
	s9 =	sld [smem:$0x3FB5]  }
0x2f: {  	lr =	sadd.s32 s0, s3;
	s0 =	sld [smem:$0x3FAC]  }
0x30: {  	s3 =	sld [smem:$0x3FAF]  }
0x31: {  	[smem:$0x3FB8] =	sst s10  }
0x32: {  	s10 =	sld [smem:$0x3FB6];
	_ =	sdelay $0x3  }
0x33: {  	p0 =	seq.s32 s10, $0x1;
	s10 =	sld [smem:$0x3FB8];
	_ =	sdelay $0x3  }
0x34: {  	[smem:$0x3FB8] =	sst s10  }
0x35: {  	s10 =	sld [smem:$0x3FB7];
	_ =	sdelay $0x3  }
0x36: {  	p1 =	seq.s32 s10, $0x1;
	s10 =	sld [smem:$0x3FB8];
	_ =	sdelay $0x3  }
0x37: {  	[smem:$0x3FB8] =	sst s10  }
0x38: {  	s10 =	sld [smem:$0x3FB9]  }
0x39: {  	_ = 	snop;
	(pc) =	sbr.ind lr, $3  }
0x3a: {  	_ = 	snop  }
0x3b: {  	_ = 	snop  }
0x3c: {  	p2 =	seq.s32 s10, $0x1;
	s10 =	sld [smem:$0x3FB8]  }
0x3d: {  	_ =	shalt  }
0x3e: {  	_ =	shalt  }
0x3f: {  	_ =	shalt  }
0x40: {  	_ =	shalt  }
0x41: {  	_ =	shalt  }
0x42: {  	_ =	shalt  }
0x43: {  	_ =	shalt  }
0x44: {  	_ =	shalt  }
0x45: {  	_ =	shalt  }
0x46: {  	_ =	shalt  }
0x47: {  	_ =	shalt  }
0x48: {  	_ =	shalt  }
0x49: {  	_ =	shalt  }
0x4a: {  	_ =	shalt  }
0x4b: {  	_ =	shalt  }
0x4c: {  	_ =	shalt  }
0x4d: {  	_ =	shalt  }
0x4e: {  	_ =	shalt  }
0x4f: {  	_ =	shalt  }
0x50: {  	_ =	shalt  }
0x51: {  	_ =	shalt  }
0x52: {  	_ =	shalt  }
0x53: {  	_ =	shalt  }
0x54: {  	_ =	shalt  }
0x55: {  	_ =	shalt  }
0x56: {  	_ =	shalt  }
0x57: {  	_ =	shalt  }
0x58: {  	_ =	shalt  }
0x59: {  	_ =	shalt  }
0x5a: {  	_ =	shalt  }
0x5b: {  	_ =	shalt  }
0x5c: {  	_ =	shalt  }
0x5d: {  	_ =	shalt  }
0x5e: {  	_ =	shalt  }
0x5f: {  	_ =	shalt  }
0x60: {  	_ =	shalt  }
0x61: {  	_ =	shalt  }
0x62: {  	_ =	shalt  }
0x63: {  	_ =	shalt  }
0x64: {  	_ =	shalt  }
0x65: {  	_ =	shalt  }
0x66: {  	_ =	shalt  }
0x67: {  	_ =	shalt  }
0x68: {  	_ =	shalt  }
0x69: {  	_ =	shalt  }
0x6a: {  	_ =	shalt  }
0x6b: {  	_ =	shalt  }
0x6c: {  	_ =	shalt  }
0x6d: {  	_ =	shalt  }
0x6e: {  	_ =	shalt  }
0x6f: {  	_ =	shalt  }
0x70: {  	_ =	shalt  }
0x71: {  	_ =	shalt  }
0x72: {  	_ =	shalt  }
0x73: {  	_ =	shalt  }
0x74: {  	_ =	shalt  }
0x75: {  	_ =	shalt  }
0x76: {  	_ =	shalt  }
0x77: {  	_ =	shalt  }
0x78: {  	_ =	shalt  }
0x79: {  	_ =	shalt  }
0x7a: {  	_ =	shalt  }
0x7b: {  	_ =	shalt  }
0x7c: {  	_ =	shalt  }
0x7d: {  	_ =	shalt  }
0x7e: {  	_ =	shalt  }
0x7f: {  	_ =	shalt  }
0x80: {  	_ =	shalt  }
0x81: {  	_ =	shalt  }
0x82: {  	_ =	shalt  }
0x83: {  	_ =	shalt  }
0x84: {  	_ =	shalt  }
0x85: {  	_ =	shalt  }
0x86: {  	_ =	shalt  }
0x87: {  	_ =	shalt  }
.Lfunc_end0:
.L_simem_size_0:
called_computation_lowered:
.L_overlay_start_0:
0x88: {  	s2 =	sld [smem:$0x3FD9]  }
0x89: {  	s3 =	sld [smem:$0x3FFE];
	_ =	sdelay $0x1  }
0x8a: {  	s1 =	srdreg.scid  }
0x8b: {  	s0 =	sand.u32 $0x1, s1  }
0x8c: {  	s17 =	sshll.u32 s0, $0xA;
	s2 =	sadd.s32 s3, s2  }
0x8d: {  	s2 =	sadd.s32 s2, s17  }
0x8e: {  	[smem:$0x3FC4] =	sst s2  }
0x8f: {  	_ = 	snop  }
0x90: {  	s2 =	sld [smem:$0x3FC9]  }
0x91: {  	s18 =	sld [smem:$0x3FD0];
	(tm) =	ssettm $0x1  }
0x92: {  	s4 =	sld [smem:$0x3FFB];
	_ =	sdelay $0x3  }
0x93: {  	_ =	strace s4  }
0x94: {  	s4 =	sld [smem:$0x3FFC];
	_ =	sdelay $0x3  }
0x95: {  	_ =	strace s4  }
0x96: {  	s4 =	sld [smem:$0x3FFD];
	_ =	sdelay $0x3  }
0x97: {  	_ =	strace s4  }
0x98: {  	_ =	strace $0x8FFFFFFF  }
0x99: {  	s19 =	sld [smem:$0x3FDB];
	_ =	sdelay $0x1  }
0x9a: {  	s5 =	simm.s32 $_scs_section_size  }
0x9b: {  	s6 =	simm.s32 $_size__tile_overlayer_lowered;
	s7 =	simm.s32 $_tile_overlayer_lowered  }
0x9c: {  	s22 =	simm.s32 $0x1BFF;
	s21 =	sshll.u32 s7, $0x1;
	s4 =	sadd.s32 s5, s19  }
0x9d: {  	s8 =	simm.s32 $0x0;
	s20 =	sshll.u32 s6, $0x1;
	s6 =	sadd.s32 s21, s4  }
0x9e: {  	[timem:s8], [sflag:s22] =	dma.local [hbm:s6], s20  }
0x9f: {  	_ =	swait.ge [sflag:s22], s20  }
0xa0: {  	s5 =	ssub.s32 $0x0, s20;
	[sflag:s22] =	ssyncset.done $0x0  }
0xa1: {  	[sflag:s22] =	ssyncadd.s32 s5;
	_ =	sdelay $0x1  }
0xa2: {  	s23 =	simm.s32 $0x1B8B  }
0xa3: {  	_ =	swait.ge [sflag:s23], $0x1  }
0xa4: {  	[sflag:s23] =	ssyncset.done $0x0  }
0xa5: {  	s25 =	simm.s32 $0x1B8E;
	s24 =	sld [smem:$0x3FFE];
	[sflag:s23] =	ssyncadd.s32 $0xFFFFFFFF  }
0xa6: {  	s26 =	simm.s32 $execute0_lowered;
	[smem:$0x3FD2] =	sst s25  }
0xa7: {  	s6 =	sshll.u32 s26, $0x1;
	_ =	strace $0x80000046;
	[dreg:$0x1] =	wrdreg $0xFFFFFFFF  }
0xa8: {  	s28 =	simm.s32 $_size_execute0_lowered;
	s4 =	sadd.s32 s4, s6;
	[dreg:$0x0] =	wrdreg $0x0  }
0xa9: {  	s6 =	sshll.u32 s28, $0x1;
	[dreg:$0x2] =	wrdreg s4  }
0xaa: {  	[dreg:$0x3] =	wrdreg s6  }
0xab: {  	[dreg:$0x4] =	wrdreg $0xC0  }
0xac: {  	_ =	task [dreg:s8], $0x5FFFF  }
0xad: {  	[dreg:$0x1] =	wrdreg $0xFFFFFFFF  }
0xae: {  	[dreg:$0x0] =	wrdreg $0x60  }
0xaf: {  	[dreg:$0x2] =	wrdreg s24  }
0xb0: {  	[dreg:$0x3] =	wrdreg s2  }
0xb1: {  	[dreg:$0x4] =	wrdreg s18  }
0xb2: {  	[dreg:$0x5] =	wrdreg $0x9  }
0xb3: {  	_ =	task.clear_ibuf [dreg:s8], $0x6FFFF;
	_ =	strace $0x90000046  }
0xb4: {  	s29 =	simm.s32 $0x9;
	_ =	strace $0x80000048  }
0xb5: {  	_ =	swait.ge [sflag:s29], $0x1  }
0xb6: {  	[sflag:s29] =	ssyncadd.s32 $0xFFFFFFFF  }
0xb7: {  	_ =	strace $0x90000048  }
0xb8: {  	_ =	sfence  }
0xb9: {  	s30 =	sld [smem:$0x0];
	_ =	sdelay $0x2  }
0xba: {  	s31 =	sshll.u32 s1, $0xD;
	s1 =	sshrl.u32 s1, $0x2  }
0xbb: {  	s3 =	sand.u32 $0x4000, s31;
	s1 =	sadd.s32 s1, s30  }
0xbc: {  	s0 =	sor.u32 s3, s0;
	s1 =	sshll.u32 s1, $0x11  }
0xbd: {  	s0 =	sor.u32 s1, s0  }
0xbe: {  	s0 =	sadd.s32 $0x8F2B, s0  }
0xbf: {  	[sflag:s0] =	ssyncadd.remote.s32 $0x1  }
0xc0: {  	_ =	sfence.sel $0xFFFF  }
0xc1: {  	[dreg:$0x0] =	wrdreg $0xFFFFFFFF;
	(pc) =	sbr.abs _section_cstart, $3  }
0xc2: {  	[dreg:$0x1] =	wrdreg $0xFFFFFFFF  }
0xc3: {  	_ =	task.clear_ibuf [dreg:s8], $0x2FFFF;
	_ =	strace $0x9FFFFFFF  }
0xc4: {  	(tm) =	ssettm $0x7FFFFFFF  }
0xc5: {  	_ =	shalt  }
tec
execute0_lowered:
.L_overlay_start_1:
0x0: {  	(tag) =	ssettag $0x1  }
0x1: {  	v0 =	vlaneseq.u32  }
0x2: {  	s3 =	rddreg [dreg:$0x0];
	v0 =	vmul.u32 $0x80, v0  }
0x3: {  	s4 =	rddreg [dreg:$0x1]  }
0x4: {  	s5 =	rddreg [dreg:$0x2];
	v1 =	vor.u32 $0x800, v0  }
0x5: {  	s0 =	rddreg [dreg:$0x3];
	s1 =	simm.s32 $0x0;
	v2 =	vor.u32 $0x1000, v0;
	v3 =	vor.u32 $0x1800, v0;
	v4 =	vor.u32 $0x2000, v0  }
0x6: {  	s2 =	srdreg.scid;
	s10 =	simm.s32 $0x400;
	s11 =	simm.s32 $0x280;
	v5 =	vor.u32 $0x2800, v0;
	v6 =	vor.u32 $0x3000, v0;
	v7 =	vor.u32 $0x3800, v0  }
0x7: {  	s12 =	simm.s32 $0x4400;
	s13 =	simm.s32 $0x300;
	s14 =	simm.s32 $0x8400;
	v8 =	vor.u32 $0x4000, v0;
	v9 =	vor.u32 $0x4800, v0;
	v10 =	vor.u32 $0x5000, v0  }
0x8: {  	s15 =	simm.s32 $0x380;
	s16 =	simm.s32 $0xC400;
	s17 =	simm.s32 $0x1;
	v11 =	vor.u32 $0x5800, v0;
	v12 =	vor.u32 $0x6000, v0;
	v13 =	vor.u32 $0x6800, v0  }
0x9: {  	s18 =	simm.s32 $0x10400;
	[smem:$0x7FF] =	sst s1;
	s6 =	sand.u32 $0x1, s2;
	v14 =	vor.u32 $0x7000, v0;
	v15 =	vor.u32 $0x7800, v0;
	v16 =	vor.u32 $0x8000, v0  }
0xa: {  	s2 =	stileid.u32;
	s3 =	sadd.s32 $0x800, s3;
	_ =	strace $0x80000047;
	v17 =	vor.u32 $0x8800, v0;
	v18 =	vor.u32 $0x9000, v0;
	v19 =	vor.u32 $0x9800, v0  }
0xb: {  	s7 =	ssub.s32 $0x2, s6;
	s9 =	sshll.u32 s2, $0x7;
	s6 =	sshll.u32 s6, $0x6;
	v20 =	vor.u32 $0xA000, v0;
	v21 =	vor.u32 $0xA800, v0;
	v22 =	vor.u32 $0xB000, v0  }
0xc: {  	s8 =	sshrl.u32 s7, $0x1;
	s6 =	sor.u32 s6, s9;
	s9 =	simm.s32 $0x200;
	v23 =	vor.u32 $0xB800, v0;
	v24 =	vor.u32 $0xC000, v0;
	v25 =	vor.u32 $0xC800, v0  }
0xd: {  	v26 =	vor.u32 $0xD000, v0;
	v27 =	vor.u32 $0xD800, v0;
	v28 =	vor.u32 $0xE000, v0;
	s7 =	ssub.s32 s7, s8;
	s4 =	sadd.s32 s4, s6;
	s5 =	sadd.s32 s5, s6  }
0xe: {  	v29 =	vor.u32 $0xE800, v0;
	v30 =	vor.u32 $0xF000, v0;
	v31 =	vor.u32 $0xF800, v0;
	s8 =	simm.s32 $0x80;
	s6 =	smax.u32 s7, $0x1;
	s7 =	simm.s32 $0x2  }
.LBB2_1:
0xf: {  	[tilespmem:s1], [sflag:$0x2] =	stream.linear.gather [hbm4b:s4+s1], $0x200, $0x38;
	[tilespmem:$0x10600] =	vst v63  }
0x10: {  	_ =	swait.ge [sflag:s7], $0x200  }
0x11: {  	[sflag:s7] =	ssyncset.done $0x0  }
0x12: {  	[sflag:s7] =	ssyncadd.s32 $0xFFFFFE00  }
0x13: {  	v32 =	vld [tilespmem:$0x0]  }
0x14: {  	v33 =	vld [tilespmem:$0x10]  }
0x15: {  	v34 =	vld [tilespmem:$0x20]  }
0x16: {  	v35 =	vld [tilespmem:$0x30]  }
0x17: {  	v36 =	vld [tilespmem:$0x40]  }
0x18: {  	v37 =	vld [tilespmem:$0x50]  }
0x19: {  	v51 =	vld [tilespmem:$0x60];
	v32 =	vshrl.u32 v32, $0x7  }
0x1a: {  	v53 =	vld [tilespmem:$0x70];
	v50 =	vshrl.u32 v33, $0x7;
	[tilespmem:$0x200] =	vst v32  }
0x1b: {  	v55 =	vld [tilespmem:$0x80];
	v52 =	vshrl.u32 v34, $0x7;
	[tilespmem:$0x210] =	vst v50  }
0x1c: {  	v57 =	vld [tilespmem:$0x90];
	v54 =	vshrl.u32 v35, $0x7;
	[tilespmem:$0x220] =	vst v52  }
0x1d: {  	v59 =	vld [tilespmem:$0xA0];
	v56 =	vshrl.u32 v36, $0x7;
	[tilespmem:$0x230] =	vst v54  }
0x1e: {  	v61 =	vld [tilespmem:$0xB0];
	v58 =	vshrl.u32 v37, $0x7;
	[tilespmem:$0x240] =	vst v56  }
0x1f: {  	v63 =	vld [tilespmem:$0xC0];
	v60 =	vshrl.u32 v51, $0x7;
	[tilespmem:$0x250] =	vst v58  }
0x20: {  	v40 =	vld [tilespmem:$0xD0];
	v62 =	vshrl.u32 v53, $0x7;
	[tilespmem:$0x260] =	vst v60  }
0x21: {  	v42 =	vld [tilespmem:$0xE0];
	v39 =	vshrl.u32 v55, $0x7;
	[tilespmem:$0x270] =	vst v62  }
0x22: {  	v44 =	vld [tilespmem:$0xF0];
	v41 =	vshrl.u32 v57, $0x7;
	[tilespmem:$0x280] =	vst v39  }
0x23: {  	v46 =	vld [tilespmem:$0x100];
	v43 =	vshrl.u32 v59, $0x7;
	[tilespmem:$0x290] =	vst v41  }
0x24: {  	v48 =	vld [tilespmem:$0x110];
	v45 =	vshrl.u32 v61, $0x7;
	[tilespmem:$0x2A0] =	vst v43  }
0x25: {  	v47 =	vshrl.u32 v63, $0x7;
	[tilespmem:$0x2B0] =	vst v45  }
0x26: {  	v49 =	vshrl.u32 v40, $0x7;
	v40 =	vld [tilespmem:$0x190];
	[tilespmem:$0x2C0] =	vst v47  }
0x27: {  	v51 =	vshrl.u32 v42, $0x7;
	v42 =	vld [tilespmem:$0x1A0];
	[tilespmem:$0x2D0] =	vst v49  }
0x28: {  	v53 =	vshrl.u32 v44, $0x7;
	v44 =	vld [tilespmem:$0x1B0];
	[tilespmem:$0x2E0] =	vst v51  }
0x29: {  	v55 =	vshrl.u32 v46, $0x7;
	v57 =	vshrl.u32 v48, $0x7;
	v48 =	vld [tilespmem:$0x1D0];
	[tilespmem:$0x2F0] =	vst v53  }
0x2a: {  	v50 =	vld [tilespmem:$0x120];
	[tilespmem:$0x300] =	vst v55  }
0x2b: {  	v52 =	vld [tilespmem:$0x130];
	[tilespmem:$0x310] =	vst v57;
	v49 =	vshrl.u32 v40, $0x7  }
0x2c: {  	v54 =	vld [tilespmem:$0x140];
	v51 =	vshrl.u32 v42, $0x7;
	[tilespmem:$0x390] =	vst v49  }
0x2d: {  	v56 =	vld [tilespmem:$0x150];
	v53 =	vshrl.u32 v44, $0x7;
	[tilespmem:$0x3A0] =	vst v51  }
0x2e: {  	v58 =	vld [tilespmem:$0x160];
	v55 =	vshrl.u32 v48, $0x7;
	[tilespmem:$0x3B0] =	vst v53  }
0x2f: {  	v60 =	vld [tilespmem:$0x170];
	v59 =	vshrl.u32 v50, $0x7;
	[tilespmem:$0x3D0] =	vst v55  }
0x30: {  	v62 =	vld [tilespmem:$0x180];
	v61 =	vshrl.u32 v52, $0x7;
	[tilespmem:$0x320] =	vst v59  }
0x31: {  	v46 =	vld [tilespmem:$0x1C0];
	v63 =	vshrl.u32 v54, $0x7;
	[tilespmem:$0x330] =	vst v61  }
0x32: {  	v41 =	vshrl.u32 v56, $0x7;
	v50 =	vld [tilespmem:$0x1E0];
	[tilespmem:$0x340] =	vst v63  }
0x33: {  	v43 =	vshrl.u32 v58, $0x7;
	v52 =	vld [tilespmem:$0x1F0];
	[tilespmem:$0x350] =	vst v41  }
0x34: {  	v45 =	vshrl.u32 v60, $0x7;
	[tilespmem:$0x360] =	vst v43  }
0x35: {  	v47 =	vshrl.u32 v62, $0x7;
	[tilespmem:$0x370] =	vst v45  }
0x36: {  	v54 =	vshrl.u32 v46, $0x7;
	[tilespmem:$0x380] =	vst v47  }
0x37: {  	[tilespmem:$0x3C0] =	vst v54;
	v56 =	vshrl.u32 v50, $0x7  }
0x38: {  	v57 =	vshrl.u32 v52, $0x7;
	[tilespmem:$0x3E0] =	vst v56  }
0x39: {  	[tilespmem:$0x3F0] =	vst v57  }
0x3a: {  	[tilespmem:s10], [sflag:$0x1] =	stream.indirect.gather [hbm4b:s3+s8], $0x80, s9, s8, $0xb8;
	[tilespmem:$0x10600] =	vst v63  }
0x3b: {  	_ = 	snop  }
0x3c: {  	[tilespmem:s12], [sflag:$0x1] =	stream.indirect.gather [hbm4b:s3+s8], $0x80, s11, s8, $0xb8;
	[tilespmem:$0x10600] =	vst v63  }
0x3d: {  	_ = 	snop  }
0x3e: {  	[tilespmem:s14], [sflag:$0x1] =	stream.indirect.gather [hbm4b:s3+s8], $0x80, s13, s8, $0xb8;
	[tilespmem:$0x10600] =	vst v63  }
0x3f: {  	_ = 	snop  }
0x40: {  	[tilespmem:s16], [sflag:$0x1] =	stream.indirect.gather [hbm4b:s3+s8], $0x80, s15, s8, $0xb8;
	[tilespmem:$0x10600] =	vst v63  }
0x41: {  	_ =	swait.ge [sflag:s17], $0x4000  }
0x42: {  	[sflag:s17] =	ssyncset.done $0x0  }
0x43: {  	[sflag:s17] =	ssyncadd.s32 $0xFFFFC000  }
0x44: {  	_ =	swait.ge [sflag:s17], $0x4000  }
0x45: {  	[sflag:s17] =	ssyncset.done $0x0  }
0x46: {  	[sflag:s17] =	ssyncadd.s32 $0xFFFFC000  }
0x47: {  	_ =	swait.ge [sflag:s17], $0x4000  }
0x48: {  	[sflag:s17] =	ssyncset.done $0x0  }
0x49: {  	[sflag:s17] =	ssyncadd.s32 $0xFFFFC000  }
0x4a: {  	_ =	swait.ge [sflag:s17], $0x4000  }
0x4b: {  	[sflag:s17] =	ssyncset.done $0x0  }
0x4c: {  	[sflag:s17] =	ssyncadd.s32 $0xFFFFC000  }
0x4d: {  	v58 =	vld [tilespmem:$0x0];
	_ =	sdelay $0x4  }
0x4e: {  	v32 =	vand.u32 $0x7F, v58  }
0x4f: {  	v59 =	vld [tilespmem:$0x10];
	v32 =	vor.u32 v0, v32;
	_ =	sdelay $0x4  }
0x50: {  	v33 =	vand.u32 $0x7F, v59;
	v32 =	vld.idx.msk [tilespmem:v32+s10+$0x0], $0xffff  }
0x51: {  	v60 =	vld [tilespmem:$0x20];
	v33 =	vor.u32 v1, v33;
	_ =	sdelay $0x3  }
0x52: {  	[tilespmem:$0x10400] =	vst v32  }
0x53: {  	v61 =	vand.u32 $0x7F, v60;
	v32 =	vld.idx.msk [tilespmem:v33+s10+$0x0], $0xffff  }
0x54: {  	v62 =	vld [tilespmem:$0x30];
	v33 =	vor.u32 v2, v61;
	_ =	sdelay $0x3  }
0x55: {  	[tilespmem:$0x10410] =	vst v32  }
0x56: {  	v63 =	vand.u32 $0x7F, v62;
	v32 =	vld.idx.msk [tilespmem:v33+s10+$0x0], $0xffff  }
0x57: {  	v36 =	vld [tilespmem:$0x40];
	v33 =	vor.u32 v3, v63;
	_ =	sdelay $0x3  }
0x58: {  	[tilespmem:$0x10420] =	vst v32  }
0x59: {  	v37 =	vand.u32 $0x7F, v36;
	v32 =	vld.idx.msk [tilespmem:v33+s10+$0x0], $0xffff  }
0x5a: {  	v38 =	vld [tilespmem:$0x50];
	v33 =	vor.u32 v4, v37;
	_ =	sdelay $0x3  }
0x5b: {  	[tilespmem:$0x10430] =	vst v32  }
0x5c: {  	v39 =	vand.u32 $0x7F, v38;
	v32 =	vld.idx.msk [tilespmem:v33+s10+$0x0], $0xffff  }
0x5d: {  	v40 =	vld [tilespmem:$0x60];
	v33 =	vor.u32 v5, v39;
	_ =	sdelay $0x3  }
0x5e: {  	[tilespmem:$0x10440] =	vst v32  }
0x5f: {  	v41 =	vand.u32 $0x7F, v40;
	v32 =	vld.idx.msk [tilespmem:v33+s10+$0x0], $0xffff  }
0x60: {  	v42 =	vld [tilespmem:$0x70];
	v33 =	vor.u32 v6, v41;
	_ =	sdelay $0x3  }
0x61: {  	[tilespmem:$0x10450] =	vst v32  }
0x62: {  	v43 =	vand.u32 $0x7F, v42;
	v32 =	vld.idx.msk [tilespmem:v33+s10+$0x0], $0xffff  }
0x63: {  	v44 =	vld [tilespmem:$0x80];
	v33 =	vor.u32 v7, v43;
	_ =	sdelay $0x3  }
0x64: {  	[tilespmem:$0x10460] =	vst v32  }
0x65: {  	v45 =	vand.u32 $0x7F, v44;
	v32 =	vld.idx.msk [tilespmem:v33+s10+$0x0], $0xffff  }
0x66: {  	v46 =	vld [tilespmem:$0x90];
	v33 =	vor.u32 v8, v45;
	_ =	sdelay $0x3  }
0x67: {  	[tilespmem:$0x10470] =	vst v32  }
0x68: {  	v47 =	vand.u32 $0x7F, v46;
	v32 =	vld.idx.msk [tilespmem:v33+s10+$0x0], $0xffff  }
0x69: {  	v48 =	vld [tilespmem:$0xA0];
	v33 =	vor.u32 v9, v47;
	_ =	sdelay $0x3  }
0x6a: {  	[tilespmem:$0x10480] =	vst v32  }
0x6b: {  	v49 =	vand.u32 $0x7F, v48;
	v32 =	vld.idx.msk [tilespmem:v33+s10+$0x0], $0xffff  }
0x6c: {  	v50 =	vld [tilespmem:$0xB0];
	v33 =	vor.u32 v10, v49;
	_ =	sdelay $0x3  }
0x6d: {  	[tilespmem:$0x10490] =	vst v32  }
0x6e: {  	v51 =	vand.u32 $0x7F, v50;
	v32 =	vld.idx.msk [tilespmem:v33+s10+$0x0], $0xffff  }
0x6f: {  	v52 =	vld [tilespmem:$0xC0];
	v33 =	vor.u32 v11, v51;
	_ =	sdelay $0x3  }
0x70: {  	[tilespmem:$0x104A0] =	vst v32  }
0x71: {  	v53 =	vand.u32 $0x7F, v52;
	v32 =	vld.idx.msk [tilespmem:v33+s10+$0x0], $0xffff  }
0x72: {  	v54 =	vld [tilespmem:$0xD0];
	v33 =	vor.u32 v12, v53;
	_ =	sdelay $0x3  }
0x73: {  	[tilespmem:$0x104B0] =	vst v32  }
0x74: {  	v55 =	vand.u32 $0x7F, v54;
	v32 =	vld.idx.msk [tilespmem:v33+s10+$0x0], $0xffff  }
0x75: {  	v56 =	vld [tilespmem:$0xE0];
	v33 =	vor.u32 v13, v55;
	_ =	sdelay $0x3  }
0x76: {  	[tilespmem:$0x104C0] =	vst v32  }
0x77: {  	v57 =	vand.u32 $0x7F, v56;
	v32 =	vld.idx.msk [tilespmem:v33+s10+$0x0], $0xffff  }
0x78: {  	v58 =	vld [tilespmem:$0xF0];
	v33 =	vor.u32 v14, v57;
	_ =	sdelay $0x3  }
0x79: {  	[tilespmem:$0x104D0] =	vst v32  }
0x7a: {  	v59 =	vand.u32 $0x7F, v58;
	v32 =	vld.idx.msk [tilespmem:v33+s10+$0x0], $0xffff  }
0x7b: {  	v60 =	vld [tilespmem:$0x100];
	v33 =	vor.u32 v15, v59;
	_ =	sdelay $0x3  }
0x7c: {  	[tilespmem:$0x104E0] =	vst v32  }
0x7d: {  	v61 =	vand.u32 $0x7F, v60;
	v32 =	vld.idx.msk [tilespmem:v33+s10+$0x0], $0xffff  }
0x7e: {  	v62 =	vld [tilespmem:$0x110];
	v33 =	vor.u32 v16, v61;
	_ =	sdelay $0x3  }
0x7f: {  	[tilespmem:$0x104F0] =	vst v32  }
0x80: {  	v63 =	vand.u32 $0x7F, v62;
	v32 =	vld.idx.msk [tilespmem:v33+s10+$0x0], $0xffff  }
0x81: {  	v36 =	vld [tilespmem:$0x120];
	v33 =	vor.u32 v17, v63;
	_ =	sdelay $0x3  }
0x82: {  	[tilespmem:$0x10500] =	vst v32  }
0x83: {  	v37 =	vand.u32 $0x7F, v36;
	v32 =	vld.idx.msk [tilespmem:v33+s10+$0x0], $0xffff  }
0x84: {  	v38 =	vld [tilespmem:$0x130];
	v33 =	vor.u32 v18, v37;
	_ =	sdelay $0x3  }
0x85: {  	[tilespmem:$0x10510] =	vst v32  }
0x86: {  	v39 =	vand.u32 $0x7F, v38;
	v32 =	vld.idx.msk [tilespmem:v33+s10+$0x0], $0xffff  }
0x87: {  	v40 =	vld [tilespmem:$0x140];
	v33 =	vor.u32 v19, v39;
	_ =	sdelay $0x3  }
0x88: {  	[tilespmem:$0x10520] =	vst v32  }
0x89: {  	v41 =	vand.u32 $0x7F, v40;
	v32 =	vld.idx.msk [tilespmem:v33+s10+$0x0], $0xffff  }
0x8a: {  	v42 =	vld [tilespmem:$0x150];
	v33 =	vor.u32 v20, v41;
	_ =	sdelay $0x3  }
0x8b: {  	[tilespmem:$0x10530] =	vst v32  }
0x8c: {  	v43 =	vand.u32 $0x7F, v42;
	v32 =	vld.idx.msk [tilespmem:v33+s10+$0x0], $0xffff  }
0x8d: {  	v44 =	vld [tilespmem:$0x160];
	v33 =	vor.u32 v21, v43;
	_ =	sdelay $0x3  }
0x8e: {  	[tilespmem:$0x10540] =	vst v32  }
0x8f: {  	v45 =	vand.u32 $0x7F, v44;
	v32 =	vld.idx.msk [tilespmem:v33+s10+$0x0], $0xffff  }
0x90: {  	v46 =	vld [tilespmem:$0x170];
	v33 =	vor.u32 v22, v45;
	_ =	sdelay $0x3  }
0x91: {  	[tilespmem:$0x10550] =	vst v32  }
0x92: {  	v47 =	vand.u32 $0x7F, v46;
	v32 =	vld.idx.msk [tilespmem:v33+s10+$0x0], $0xffff  }
0x93: {  	v48 =	vld [tilespmem:$0x180];
	v33 =	vor.u32 v23, v47;
	_ =	sdelay $0x3  }
0x94: {  	[tilespmem:$0x10560] =	vst v32  }
0x95: {  	v49 =	vand.u32 $0x7F, v48;
	v32 =	vld.idx.msk [tilespmem:v33+s10+$0x0], $0xffff  }
0x96: {  	v50 =	vld [tilespmem:$0x190];
	v33 =	vor.u32 v24, v49;
	_ =	sdelay $0x3  }
0x97: {  	[tilespmem:$0x10570] =	vst v32  }
0x98: {  	v51 =	vand.u32 $0x7F, v50;
	v32 =	vld.idx.msk [tilespmem:v33+s10+$0x0], $0xffff  }
0x99: {  	v52 =	vld [tilespmem:$0x1A0];
	v33 =	vor.u32 v25, v51;
	_ =	sdelay $0x3  }
0x9a: {  	[tilespmem:$0x10580] =	vst v32  }
0x9b: {  	v53 =	vand.u32 $0x7F, v52;
	v32 =	vld.idx.msk [tilespmem:v33+s10+$0x0], $0xffff  }
0x9c: {  	v54 =	vld [tilespmem:$0x1B0];
	v33 =	vor.u32 v26, v53;
	_ =	sdelay $0x3  }
0x9d: {  	[tilespmem:$0x10590] =	vst v32  }
0x9e: {  	v55 =	vand.u32 $0x7F, v54;
	v32 =	vld.idx.msk [tilespmem:v33+s10+$0x0], $0xffff  }
0x9f: {  	v56 =	vld [tilespmem:$0x1C0];
	v33 =	vor.u32 v27, v55;
	_ =	sdelay $0x3  }
0xa0: {  	[tilespmem:$0x105A0] =	vst v32  }
0xa1: {  	v57 =	vand.u32 $0x7F, v56;
	v32 =	vld.idx.msk [tilespmem:v33+s10+$0x0], $0xffff  }
0xa2: {  	v58 =	vld [tilespmem:$0x1D0];
	v33 =	vor.u32 v28, v57;
	_ =	sdelay $0x3  }
0xa3: {  	[tilespmem:$0x105B0] =	vst v32  }
0xa4: {  	v59 =	vand.u32 $0x7F, v58;
	v32 =	vld.idx.msk [tilespmem:v33+s10+$0x0], $0xffff  }
0xa5: {  	v60 =	vld [tilespmem:$0x1E0];
	v33 =	vor.u32 v29, v59;
	_ =	sdelay $0x3  }
0xa6: {  	[tilespmem:$0x105C0] =	vst v32  }
0xa7: {  	v61 =	vand.u32 $0x7F, v60;
	v32 =	vld.idx.msk [tilespmem:v33+s10+$0x0], $0xffff  }
0xa8: {  	v62 =	vld [tilespmem:$0x1F0];
	v33 =	vor.u32 v30, v61;
	_ =	sdelay $0x3  }
0xa9: {  	[tilespmem:$0x105D0] =	vst v32  }
0xaa: {  	v63 =	vand.u32 $0x7F, v62;
	v32 =	vld.idx.msk [tilespmem:v33+s10+$0x0], $0xffff  }
0xab: {  	v33 =	vor.u32 v31, v63;
	_ =	sdelay $0x3  }
0xac: {  	[tilespmem:$0x105E0] =	vst v32  }
0xad: {  	v32 =	vld.idx.msk [tilespmem:v33+s10+$0x0], $0xffff;
	_ =	sdelay $0x3  }
0xae: {  	p0 =	sne.s32 s6, $0x1  }
.Ltmp0:
0xaf: {  	[tilespmem:$0x105F0] =	vst v32;
	(pc) =	sbr.rel @p0 .LBB2_1-.Ltmp0, $4  }
0xb0: {  	[hbm4b:s5+s1] =	stream.linear.scatter [tilespmem:s18], [sflag:$0x2], $0x200, $0x38;
	[tilespmem:$0x10600] =	vst v63  }
0xb1: {  	_ =	swait.ge [sflag:s7], $0x200  }
0xb2: {  	[sflag:s7] =	ssyncset.done $0x0  }
0xb3: {  	s6 =	sadd.s32 $0xFFFFFFFF, s6;
	[sflag:s7] =	ssyncadd.s32 $0xFFFFFE00  }
0xb4: {  	_ =	sfence.sel $0x180000  }
0xb5: {  	[bflag:$0x0] =	sbarrier.arrive $0xFFFF  }
0xb6: {  	p0 =	sne.s32 s2, $0x0;
	_ =	strace $0x90000047  }
0xb7: {  	s0 =	sadd.s32 @!p0 $0x100000, s0;
	[bflag:$0x2] =	sbarrier.arrive $0xFFFF  }
0xb8: {  	[sflag:s0] =	ssyncadd.tile.s32 @!p0 $0x1;
	_ =	shalt  }
.Lfunc_end2:
_tile_overlayer_lowered:
.L_overlay_start_2:
0xb9: {  	(tag) =	ssettag $0x2  }
0xba: {  	s0 =	rddreg [dreg:$0x0];
	s2 =	stileid.u32  }
0xbb: {  	s1 =	rddreg [dreg:$0x1];
	p0 =	sne.s32 s2, $0x0  }
0xbc: {  	s3 =	rddreg [dreg:$0x2];
	[bflag:$0x3] =	sbarrier.arrive $0xFFFF;
	s2 =	simm.s32 @!p0 $0x1C02  }
0xbd: {  	[timem:s3], [sflag:s2] =	dma.local @!p0 [hbm:s0], s1  }
0xbe: {  	s0 =	simm.s32 @!p0 $0x2  }
0xbf: {  	_ =	swait.ge @!p0 [sflag:s0], s1  }
0xc0: {  	s1 =	ssub.s32 @!p0 $0x0, s1;
	[sflag:s0] =	ssyncset.done @!p0 $0x0  }
0xc1: {  	[sflag:s0] =	ssyncadd.s32 @!p0 s1  }
0xc2: {  	[bflag:$0x3] =	sbarrier.arrive $0xFFFF  }
0xc3: {  	_ =	shalt  }

</sc_bundles>
